<compile_context>
chip_gen: v7x
topology: tpu7x:2x2x1
jax: 0.10.2.dev20260603
libtpu: 0.0.44.dev20260713+nightly
codegen_flags: <defaults>
</compile_context>

<pallas_src>
import functools

import jax
import jax.numpy as jnp
from jax import lax
from jax.experimental import pallas as pl
from jax.experimental.pallas import tpu as pltpu
from jax.experimental.pallas import tpu_sc as plsc

B = 16384
L = 200
DIM = 32
PITCH = DIM + 1
NW = 32
BPW = B // NW
NBT = BPW // 128


@jax.jit
def _sc_gather_t(table, xt):
    mesh = plsc.VectorSubcoreMesh(core_axis_name="c", subcore_axis_name="s")

    @functools.partial(
        pl.kernel,
        mesh=mesh,
        out_type=jax.ShapeDtypeStruct((L, DIM // 8, B // 128, 1024),
                                      jnp.float32),
        scratch_types=[
            pltpu.VMEM((BPW,), jnp.int32),
            pltpu.VMEM((BPW,), jnp.int32),
            pltpu.VMEM((BPW, DIM), jnp.float32),
            pltpu.VMEM((BPW, DIM), jnp.float32),
            pltpu.VMEM((BPW, PITCH), jnp.float32),
            pltpu.VMEM((BPW, PITCH), jnp.float32),
            pltpu.VMEM((16, 1024), jnp.float32),
            pltpu.VMEM((16, 1024), jnp.float32),
            pltpu.SemaphoreType.DMA,
            pltpu.SemaphoreType.DMA,
            pltpu.SemaphoreType.DMA,
            pltpu.SemaphoreType.DMA,
            pltpu.SemaphoreType.DMA,
            pltpu.SemaphoreType.DMA,
        ],
        compiler_params=pltpu.CompilerParams(use_tc_tiling_on_sc=False,
                                             needs_layout_passes=False),
    )
    def k(table_hbm, xt_hbm, out_hbm, ibuf0, ibuf1, rbuf0, rbuf1,
          sbuf0, sbuf1, tbuf0, tbuf1,
          isem0, isem1, gsem0, gsem1, osem0, osem1):
        wid = lax.axis_index("s") * 2 + lax.axis_index("c")
        wb0 = wid * BPW
        wbt0 = wid * NBT

        iota = lax.iota(jnp.int32, 16)

        def idx_start(l, ibuf, isem):
            pltpu.async_copy(xt_hbm.at[l, pl.ds(wb0, BPW)], ibuf, isem)

        def idx_wait(ibuf, isem):
            pltpu.make_async_copy(xt_hbm.at[0, pl.ds(wb0, BPW)],
                                  ibuf, isem).wait()

        def gat_start(ibuf, rbuf, gsem):
            pltpu.async_copy(table_hbm.at[ibuf], rbuf, gsem)

        def gat_wait(ibuf, rbuf, gsem):
            pltpu.make_async_copy(table_hbm.at[ibuf], rbuf, gsem).wait()

        def repitch(rbuf, sbuf):
            def body(q, carry):
                vs = []
                for u in range(4):
                    r = 4 * q + u
                    vs.append((r, rbuf[r, pl.ds(0, 16)],
                               rbuf[r, pl.ds(16, 16)]))
                for r, v0, v1 in vs:
                    sbuf[r, pl.ds(0, 16)] = v0
                    sbuf[r, pl.ds(16, 16)] = v1
                return carry

            lax.fori_loop(0, BPW // 4, body, 0)

        def out_start(l, tbuf, osem):
            for bt in range(NBT):
                pltpu.async_copy(tbuf.at[pl.ds(bt * 4, 4), :],
                                 out_hbm.at[l, :, wbt0 + bt], osem)

        def out_wait(tbuf, osem):
            for bt in range(NBT):
                pltpu.make_async_copy(tbuf.at[pl.ds(bt * 4, 4), :],
                                      out_hbm.at[0, :, wbt0 + bt],
                                      osem).wait()

        def transpose(sbuf, tbuf):
            for bt in range(NBT):
                rowidx = [iota + (bt * 128 + 16 * j) for j in range(8)]

                def body(d, carry, rowidx=rowidx, bt=bt):
                    colv = lax.full((16,), d, jnp.int32)
                    trow = bt * 4 + (d >> 3)
                    tcol = (d & 7) * 128
                    vs = [plsc.load_gather(sbuf, [rowidx[j], colv])
                          for j in range(8)]
                    for j in range(8):
                        tbuf[trow, pl.ds(tcol + 16 * j, 16)] = vs[j]
                    return carry

                lax.fori_loop(0, DIM, body, 0)

        idx_start(0, ibuf0, isem0)
        idx_start(1, ibuf1, isem1)
        idx_wait(ibuf0, isem0)
        gat_start(ibuf0, rbuf0, gsem0)

        def pair(i2, carry):
            a = 2 * i2
            b = a + 1
            idx_wait(ibuf1, isem1)
            gat_start(ibuf1, rbuf1, gsem1)
            gat_wait(ibuf0, rbuf0, gsem0)

            @pl.when(a + 2 < L)
            def _():
                idx_start(a + 2, ibuf0, isem0)

            repitch(rbuf0, sbuf0)

            @pl.when(i2 >= 1)
            def _():
                out_wait(tbuf0, osem0)

            transpose(sbuf0, tbuf0)
            out_start(a, tbuf0, osem0)
            gat_wait(ibuf1, rbuf1, gsem1)

            @pl.when(b + 2 < L)
            def _():
                idx_start(b + 2, ibuf1, isem1)

            repitch(rbuf1, sbuf1)

            @pl.when(a + 2 < L)
            def _():
                idx_wait(ibuf0, isem0)
                gat_start(ibuf0, rbuf0, gsem0)

            @pl.when(i2 >= 1)
            def _():
                out_wait(tbuf1, osem1)

            transpose(sbuf1, tbuf1)
            out_start(b, tbuf1, osem1)

            return carry

        lax.fori_loop(0, L // 2, pair, 0)
        out_wait(tbuf0, osem0)
        out_wait(tbuf1, osem1)

    return k(table, xt)


def kernel(x, table):
    xt = jnp.swapaxes(x, 0, 1)
    out_t = _sc_gather_t(table, xt)
    out5 = out_t.reshape(L, DIM // 8, B // 128, 8, 128)
    return out5.transpose(2, 4, 0, 1, 3).reshape(B, L, DIM)

# --- scband reference (transcript-rebuilt; emitter-appended) ---
"""Pipeline reference for scband-learnable-pos-emb-45432164057801 (READ-ONLY COPY).

The authoritative reference and input builder live on the scoring server;
editing this copy changes nothing except your own understanding.
"""

import jax, jax.numpy as jnp
import numpy as np

DIM = 32
MAX_STEPS = 100000
B = 16384
L = 200

def setup_inputs(seed: int = 0) -> dict:
    key = jax.random.key(seed)
    k1, k2 = jax.random.split(key)
    x = jax.random.randint(k1, (B, L), 0, MAX_STEPS, dtype=jnp.int64 if jax.config.jax_enable_x64 else jnp.int32)
    table = jax.random.normal(k2, (MAX_STEPS, DIM), dtype=jnp.float32)
    return {"x": x, "table": table}

def reference(x, table):
    # nn.Embedding forward: gather rows of the table by index
    return jnp.take(table, x, axis=0)

if __name__ == "__main__":
    import jax
    _d = setup_inputs()
    print(jax.jit(kernel)(*tuple(_d.values())))

</pallas_src>

<mosaic_0001>
#map = affine_map<(d0, d1) -> (0, 0)>
#map1 = affine_map<(d0, d1) -> (0, 0, 0, 0)>
module attributes {stable_mosaic.version = 14 : i64} {
  func.func @k(%arg0: i32, %arg1: i32, %arg2: memref<100000x32xf32, #tpu.memory_space<hbm>>, %arg3: memref<200x16384xi32, #tpu.memory_space<hbm>>, %arg4: memref<200x4x128x1024xf32, #tpu.memory_space<hbm>>, %arg5: memref<512xi32, #tpu.memory_space<vmem>>, %arg6: memref<512xi32, #tpu.memory_space<vmem>>, %arg7: memref<512x32xf32, #tpu.memory_space<vmem>>, %arg8: memref<512x32xf32, #tpu.memory_space<vmem>>, %arg9: memref<512x33xf32, #tpu.memory_space<vmem>>, %arg10: memref<512x33xf32, #tpu.memory_space<vmem>>, %arg11: memref<16x1024xf32, #tpu.memory_space<vmem>>, %arg12: memref<16x1024xf32, #tpu.memory_space<vmem>>, %arg13: memref<!tpu.dma_semaphore, #tpu.memory_space<semaphore_mem>>, %arg14: memref<!tpu.dma_semaphore, #tpu.memory_space<semaphore_mem>>, %arg15: memref<!tpu.dma_semaphore, #tpu.memory_space<semaphore_mem>>, %arg16: memref<!tpu.dma_semaphore, #tpu.memory_space<semaphore_mem>>, %arg17: memref<!tpu.dma_semaphore, #tpu.memory_space<semaphore_mem>>, %arg18: memref<!tpu.dma_semaphore, #tpu.memory_space<semaphore_mem>>) attributes {dimension_semantics = [#tpu.dimension_semantics<core_parallel>, #tpu.dimension_semantics<subcore_parallel>], iteration_bounds = array<i64: 2, 16>, scalar_prefetch = 0 : i64, scratch_operands = 14 : i64, tpu.core_type = #tpu.core_type<sc_vector_subcore>, window_params = [{transform_indices = #map}, {transform_indices = #map}, {transform_indices = #map1}]} {
    %mul3A = arith.constant 2 : i32
    %mul3A_0 = arith.muli %arg1, %mul3A : i32
    %add3A = arith.addi %mul3A_0, %arg0 : i32
    %mul3A_1 = arith.constant 512 : i32
    %mul3A_2 = arith.muli %add3A, %mul3A_1 : i32
    %mul3A_3 = arith.constant 4 : i32
    %mul3A_4 = arith.muli %add3A, %mul3A_3 : i32
    %iota3A = tpu.iota {dimensions = array<i32: 0>} : vector<16xi32>
    %dma_start3A = arith.constant 0 : i32
    %dma_start3A_5 = tpu.memref_slice %arg3[%dma_start3A, %mul3A_2] : memref<200x16384xi32, #tpu.memory_space<hbm>> -> memref<1x512xi32, #tpu.memory_space<hbm>>
    %dma_start3A_6 = tpu.memref_squeeze %dma_start3A_5 : memref<1x512xi32, #tpu.memory_space<hbm>> -> memref<512xi32, #tpu.memory_space<hbm>>
    %dma_start3A_7 = tpu.memref_slice %arg3[%dma_start3A, %mul3A_2] : memref<200x16384xi32, #tpu.memory_space<hbm>> -> memref<1x512xi32, #tpu.memory_space<hbm>>
    %dma_start3A_8 = tpu.memref_squeeze %dma_start3A_7 : memref<1x512xi32, #tpu.memory_space<hbm>> -> memref<512xi32, #tpu.memory_space<hbm>>
    tpu.enqueue_dma source(%dma_start3A_8 : memref<512xi32, #tpu.memory_space<hbm>>) target(%arg5 : memref<512xi32, #tpu.memory_space<vmem>>) target_semaphore(%arg13 : memref<!tpu.dma_semaphore, #tpu.memory_space<semaphore_mem>>)
    %dma_start3A_9 = arith.constant 1 : i32
    %dma_start3A_10 = tpu.memref_slice %arg3[%dma_start3A_9, %mul3A_2] : memref<200x16384xi32, #tpu.memory_space<hbm>> -> memref<1x512xi32, #tpu.memory_space<hbm>>
    %dma_start3A_11 = tpu.memref_squeeze %dma_start3A_10 : memref<1x512xi32, #tpu.memory_space<hbm>> -> memref<512xi32, #tpu.memory_space<hbm>>
    %dma_start3A_12 = tpu.memref_slice %arg3[%dma_start3A_9, %mul3A_2] : memref<200x16384xi32, #tpu.memory_space<hbm>> -> memref<1x512xi32, #tpu.memory_space<hbm>>
    %dma_start3A_13 = tpu.memref_squeeze %dma_start3A_12 : memref<1x512xi32, #tpu.memory_space<hbm>> -> memref<512xi32, #tpu.memory_space<hbm>>
    tpu.enqueue_dma source(%dma_start3A_13 : memref<512xi32, #tpu.memory_space<hbm>>) target(%arg6 : memref<512xi32, #tpu.memory_space<vmem>>) target_semaphore(%arg14 : memref<!tpu.dma_semaphore, #tpu.memory_space<semaphore_mem>>)
    %dma_wait3A = arith.constant 0 : i32
    %dma_wait3A_14 = tpu.memref_slice %arg3[%dma_wait3A, %mul3A_2] : memref<200x16384xi32, #tpu.memory_space<hbm>> -> memref<1x512xi32, #tpu.memory_space<hbm>>
    %dma_wait3A_15 = tpu.memref_squeeze %dma_wait3A_14 : memref<1x512xi32, #tpu.memory_space<hbm>> -> memref<512xi32, #tpu.memory_space<hbm>>
    %dma_wait3A_16 = tpu.memref_slice %arg3[%dma_wait3A, %mul3A_2] : memref<200x16384xi32, #tpu.memory_space<hbm>> -> memref<1x512xi32, #tpu.memory_space<hbm>>
    %dma_wait3A_17 = tpu.memref_squeeze %dma_wait3A_16 : memref<1x512xi32, #tpu.memory_space<hbm>> -> memref<512xi32, #tpu.memory_space<hbm>>
    tpu.wait_dma2 semaphore(%arg13 : memref<!tpu.dma_semaphore, #tpu.memory_space<semaphore_mem>>) src(%dma_wait3A_17 : memref<512xi32, #tpu.memory_space<hbm>>) dst(%arg5 : memref<512xi32, #tpu.memory_space<vmem>>)
    %dma_start3A_18 = arith.constant 0 : i32
    %dma_start3A_19 = arith.constant 0 : i32
    %dma_start3A_20 = tpu.memref_slice %arg2[%dma_start3A_18, %dma_start3A_19] : memref<100000x32xf32, #tpu.memory_space<hbm>> -> memref<100000x32xf32, #tpu.memory_space<hbm>>
    tpu.enqueue_indirect_dma source(%dma_start3A_20 : memref<100000x32xf32, #tpu.memory_space<hbm>>) target(%arg7 : memref<512x32xf32, #tpu.memory_space<vmem>>) offsets(%arg5 : memref<512xi32, #tpu.memory_space<vmem>>) semaphore(%arg15 : memref<!tpu.dma_semaphore, #tpu.memory_space<semaphore_mem>>)
    %scan3A = arith.constant 0 : i32
    %scan3A_21 = arith.constant 0 : i32
    %scan3A_22 = arith.constant 100 : i32
    %scan3A_23 = arith.addi %scan3A_21, %scan3A_22 : i32
    %scan3A_24 = arith.constant 1 : i32
    scf.for %scan3A_162 = %scan3A_21 to %scan3A_23 step %scan3A_24  : i32 {
      %mul3A_163 = arith.constant 2 : i32
      %mul3A_164 = arith.muli %mul3A_163, %scan3A_162 : i32
      %add3A_165 = arith.constant 1 : i32
      %add3A_166 = arith.addi %mul3A_164, %add3A_165 : i32
      %dma_wait3A_167 = arith.constant 0 : i32
      %dma_wait3A_168 = tpu.memref_slice %arg3[%dma_wait3A_167, %mul3A_2] : memref<200x16384xi32, #tpu.memory_space<hbm>> -> memref<1x512xi32, #tpu.memory_space<hbm>>
      %dma_wait3A_169 = tpu.memref_squeeze %dma_wait3A_168 : memref<1x512xi32, #tpu.memory_space<hbm>> -> memref<512xi32, #tpu.memory_space<hbm>>
      %dma_wait3A_170 = tpu.memref_slice %arg3[%dma_wait3A_167, %mul3A_2] : memref<200x16384xi32, #tpu.memory_space<hbm>> -> memref<1x512xi32, #tpu.memory_space<hbm>>
      %dma_wait3A_171 = tpu.memref_squeeze %dma_wait3A_170 : memref<1x512xi32, #tpu.memory_space<hbm>> -> memref<512xi32, #tpu.memory_space<hbm>>
      tpu.wait_dma2 semaphore(%arg14 : memref<!tpu.dma_semaphore, #tpu.memory_space<semaphore_mem>>) src(%dma_wait3A_171 : memref<512xi32, #tpu.memory_space<hbm>>) dst(%arg6 : memref<512xi32, #tpu.memory_space<vmem>>)
      %dma_start3A_172 = arith.constant 0 : i32
      %dma_start3A_173 = arith.constant 0 : i32
      %dma_start3A_174 = tpu.memref_slice %arg2[%dma_start3A_172, %dma_start3A_173] : memref<100000x32xf32, #tpu.memory_space<hbm>> -> memref<100000x32xf32, #tpu.memory_space<hbm>>
      tpu.enqueue_indirect_dma source(%dma_start3A_174 : memref<100000x32xf32, #tpu.memory_space<hbm>>) target(%arg8 : memref<512x32xf32, #tpu.memory_space<vmem>>) offsets(%arg6 : memref<512xi32, #tpu.memory_space<vmem>>) semaphore(%arg16 : memref<!tpu.dma_semaphore, #tpu.memory_space<semaphore_mem>>)
      %dma_wait3A_175 = arith.constant 0 : i32
      %dma_wait3A_176 = arith.constant 0 : i32
      %dma_wait3A_177 = tpu.memref_slice %arg2[%dma_wait3A_175, %dma_wait3A_176] : memref<100000x32xf32, #tpu.memory_space<hbm>> -> memref<100000x32xf32, #tpu.memory_space<hbm>>
      tpu.wait_indirect_dma semaphore(%arg15 : memref<!tpu.dma_semaphore, #tpu.memory_space<semaphore_mem>>) src(%dma_wait3A_177 : memref<100000x32xf32, #tpu.memory_space<hbm>>) dst(%arg7 : memref<512x32xf32, #tpu.memory_space<vmem>>)
      %add3A_178 = arith.constant 2 : i32
      %add3A_179 = arith.addi %mul3A_164, %add3A_178 : i32
      %lt3A = arith.constant 200 : i32
      %lt3A_180 = arith.cmpi slt, %add3A_179, %lt3A : i32
      %convert_element_type3A = arith.extui %lt3A_180 : i1 to i32
      %cond3A = arith.constant 0 : i32
      %cond3A_181 = arith.cmpi ne, %convert_element_type3A, %cond3A : i32
      scf.if %cond3A_181 {
        %add3A_588 = arith.constant 2 : i32
        %add3A_589 = arith.addi %mul3A_164, %add3A_588 : i32
        %dma_start3A_590 = tpu.memref_slice %arg3[%add3A_589, %mul3A_2] : memref<200x16384xi32, #tpu.memory_space<hbm>> -> memref<1x512xi32, #tpu.memory_space<hbm>>
        %dma_start3A_591 = tpu.memref_squeeze %dma_start3A_590 : memref<1x512xi32, #tpu.memory_space<hbm>> -> memref<512xi32, #tpu.memory_space<hbm>>
        %dma_start3A_592 = tpu.memref_slice %arg3[%add3A_589, %mul3A_2] : memref<200x16384xi32, #tpu.memory_space<hbm>> -> memref<1x512xi32, #tpu.memory_space<hbm>>
        %dma_start3A_593 = tpu.memref_squeeze %dma_start3A_592 : memref<1x512xi32, #tpu.memory_space<hbm>> -> memref<512xi32, #tpu.memory_space<hbm>>
        tpu.enqueue_dma source(%dma_start3A_593 : memref<512xi32, #tpu.memory_space<hbm>>) target(%arg5 : memref<512xi32, #tpu.memory_space<vmem>>) target_semaphore(%arg13 : memref<!tpu.dma_semaphore, #tpu.memory_space<semaphore_mem>>)
      } else {
      }
      %scan3A_182 = arith.constant 0 : i32
      %scan3A_183 = arith.constant 0 : i32
      %scan3A_184 = arith.constant 128 : i32
      %scan3A_185 = arith.addi %scan3A_183, %scan3A_184 : i32
      %scan3A_186 = arith.constant 1 : i32
      scf.for %scan3A_588 = %scan3A_183 to %scan3A_185 step %scan3A_186  : i32 {
        %mul3A_589 = arith.constant 4 : i32
        %mul3A_590 = arith.muli %mul3A_589, %scan3A_588 : i32
        %add3A_591 = arith.constant 0 : i32
        %add3A_592 = arith.addi %mul3A_590, %add3A_591 : i32
        %get3A = arith.index_cast %add3A_592 : i32 to index
        %get3A_593 = arith.constant 0 : index
        %get3A_594 = tpu.vector_load %arg7[%get3A, %get3A_593] {strides = array<i32>} : memref<512x32xf32, #tpu.memory_space<vmem>>, vector<16xf32>,
        %get3A_595 = arith.index_cast %add3A_592 : i32 to index
        %get3A_596 = arith.constant 16 : index
        %get3A_597 = tpu.vector_load %arg7[%get3A_595, %get3A_596] {strides = array<i32>} : memref<512x32xf32, #tpu.memory_space<vmem>>, vector<16xf32>,
        %mul3A_598 = arith.constant 4 : i32
        %mul3A_599 = arith.muli %mul3A_598, %scan3A_588 : i32
        %add3A_600 = arith.constant 1 : i32
        %add3A_601 = arith.addi %mul3A_599, %add3A_600 : i32
        %get3A_602 = arith.index_cast %add3A_601 : i32 to index
        %get3A_603 = arith.constant 0 : index
        %get3A_604 = tpu.vector_load %arg7[%get3A_602, %get3A_603] {strides = array<i32>} : memref<512x32xf32, #tpu.memory_space<vmem>>, vector<16xf32>,
        %get3A_605 = arith.index_cast %add3A_601 : i32 to index
        %get3A_606 = arith.constant 16 : index
        %get3A_607 = tpu.vector_load %arg7[%get3A_605, %get3A_606] {strides = array<i32>} : memref<512x32xf32, #tpu.memory_space<vmem>>, vector<16xf32>,
        %mul3A_608 = arith.constant 4 : i32
        %mul3A_609 = arith.muli %mul3A_608, %scan3A_588 : i32
        %add3A_610 = arith.constant 2 : i32
        %add3A_611 = arith.addi %mul3A_609, %add3A_610 : i32
        %get3A_612 = arith.index_cast %add3A_611 : i32 to index
        %get3A_613 = arith.constant 0 : index
        %get3A_614 = tpu.vector_load %arg7[%get3A_612, %get3A_613] {strides = array<i32>} : memref<512x32xf32, #tpu.memory_space<vmem>>, vector<16xf32>,
        %get3A_615 = arith.index_cast %add3A_611 : i32 to index
        %get3A_616 = arith.constant 16 : index
        %get3A_617 = tpu.vector_load %arg7[%get3A_615, %get3A_616] {strides = array<i32>} : memref<512x32xf32, #tpu.memory_space<vmem>>, vector<16xf32>,
        %mul3A_618 = arith.constant 4 : i32
        %mul3A_619 = arith.muli %mul3A_618, %scan3A_588 : i32
        %add3A_620 = arith.constant 3 : i32
        %add3A_621 = arith.addi %mul3A_619, %add3A_620 : i32
        %get3A_622 = arith.index_cast %add3A_621 : i32 to index
        %get3A_623 = arith.constant 0 : index
        %get3A_624 = tpu.vector_load %arg7[%get3A_622, %get3A_623] {strides = array<i32>} : memref<512x32xf32, #tpu.memory_space<vmem>>, vector<16xf32>,
        %get3A_625 = arith.index_cast %add3A_621 : i32 to index
        %get3A_626 = arith.constant 16 : index
        %get3A_627 = tpu.vector_load %arg7[%get3A_625, %get3A_626] {strides = array<i32>} : memref<512x32xf32, #tpu.memory_space<vmem>>, vector<16xf32>,
        %swap3A = arith.index_cast %add3A_592 : i32 to index
        %swap3A_628 = arith.constant 0 : index
        %swap3A_629 = tpu.vector_load %arg9[%swap3A, %swap3A_628] {strides = array<i32>} : memref<512x33xf32, #tpu.memory_space<vmem>>, vector<16xf32>,
        tpu.vector_store %arg9[%swap3A, %swap3A_628], %get3A_594 {strides = array<i32>} : memref<512x33xf32, #tpu.memory_space<vmem>>, vector<16xf32>,
        %swap3A_630 = arith.index_cast %add3A_592 : i32 to index
        %swap3A_631 = arith.constant 16 : index
        %swap3A_632 = tpu.vector_load %arg9[%swap3A_630, %swap3A_631] {strides = array<i32>} : memref<512x33xf32, #tpu.memory_space<vmem>>, vector<16xf32>,
        tpu.vector_store %arg9[%swap3A_630, %swap3A_631], %get3A_597 {strides = array<i32>} : memref<512x33xf32, #tpu.memory_space<vmem>>, vector<16xf32>,
        %swap3A_633 = arith.index_cast %add3A_601 : i32 to index
        %swap3A_634 = arith.constant 0 : index
        %swap3A_635 = tpu.vector_load %arg9[%swap3A_633, %swap3A_634] {strides = array<i32>} : memref<512x33xf32, #tpu.memory_space<vmem>>, vector<16xf32>,
        tpu.vector_store %arg9[%swap3A_633, %swap3A_634], %get3A_604 {strides = array<i32>} : memref<512x33xf32, #tpu.memory_space<vmem>>, vector<16xf32>,
        %swap3A_636 = arith.index_cast %add3A_601 : i32 to index
        %swap3A_637 = arith.constant 16 : index
        %swap3A_638 = tpu.vector_load %arg9[%swap3A_636, %swap3A_637] {strides = array<i32>} : memref<512x33xf32, #tpu.memory_space<vmem>>, vector<16xf32>,
        tpu.vector_store %arg9[%swap3A_636, %swap3A_637], %get3A_607 {strides = array<i32>} : memref<512x33xf32, #tpu.memory_space<vmem>>, vector<16xf32>,
        %swap3A_639 = arith.index_cast %add3A_611 : i32 to index
        %swap3A_640 = arith.constant 0 : index
        %swap3A_641 = tpu.vector_load %arg9[%swap3A_639, %swap3A_640] {strides = array<i32>} : memref<512x33xf32, #tpu.memory_space<vmem>>, vector<16xf32>,
        tpu.vector_store %arg9[%swap3A_639, %swap3A_640], %get3A_614 {strides = array<i32>} : memref<512x33xf32, #tpu.memory_space<vmem>>, vector<16xf32>,
        %swap3A_642 = arith.index_cast %add3A_611 : i32 to index
        %swap3A_643 = arith.constant 16 : index
        %swap3A_644 = tpu.vector_load %arg9[%swap3A_642, %swap3A_643] {strides = array<i32>} : memref<512x33xf32, #tpu.memory_space<vmem>>, vector<16xf32>,
        tpu.vector_store %arg9[%swap3A_642, %swap3A_643], %get3A_617 {strides = array<i32>} : memref<512x33xf32, #tpu.memory_space<vmem>>, vector<16xf32>,
        %swap3A_645 = arith.index_cast %add3A_621 : i32 to index
        %swap3A_646 = arith.constant 0 : index
        %swap3A_647 = tpu.vector_load %arg9[%swap3A_645, %swap3A_646] {strides = array<i32>} : memref<512x33xf32, #tpu.memory_space<vmem>>, vector<16xf32>,
        tpu.vector_store %arg9[%swap3A_645, %swap3A_646], %get3A_624 {strides = array<i32>} : memref<512x33xf32, #tpu.memory_space<vmem>>, vector<16xf32>,
        %swap3A_648 = arith.index_cast %add3A_621 : i32 to index
        %swap3A_649 = arith.constant 16 : index
        %swap3A_650 = tpu.vector_load %arg9[%swap3A_648, %swap3A_649] {strides = array<i32>} : memref<512x33xf32, #tpu.memory_space<vmem>>, vector<16xf32>,
        tpu.vector_store %arg9[%swap3A_648, %swap3A_649], %get3A_627 {strides = array<i32>} : memref<512x33xf32, #tpu.memory_space<vmem>>, vector<16xf32>,
      }
      %scan3A_187 = arith.constant 128 : i32
      %ge3A = arith.constant 1 : i32
      %ge3A_188 = arith.cmpi sge, %scan3A_162, %ge3A : i32
      %convert_element_type3A_189 = arith.extui %ge3A_188 : i1 to i32
      %cond3A_190 = arith.constant 0 : i32
      %cond3A_191 = arith.cmpi ne, %convert_element_type3A_189, %cond3A_190 : i32
      scf.if %cond3A_191 {
        %add3A_588 = arith.constant 0 : i32
        %add3A_589 = arith.addi %mul3A_4, %add3A_588 : i32
        %dma_wait3A_590 = arith.constant 0 : i32
        %dma_wait3A_591 = arith.constant 0 : i32
        %dma_wait3A_592 = arith.constant 0 : i32
        %dma_wait3A_593 = tpu.memref_slice %arg11[%dma_wait3A_591, %dma_wait3A_592] : memref<16x1024xf32, #tpu.memory_space<vmem>> -> memref<4x1024xf32, #tpu.memory_space<vmem>>
        %dma_wait3A_594 = arith.constant 0 : i32
        %dma_wait3A_595 = arith.constant 0 : i32
        %dma_wait3A_596 = tpu.memref_slice %arg4[%dma_wait3A_590, %dma_wait3A_594, %add3A_589, %dma_wait3A_595] : memref<200x4x128x1024xf32, #tpu.memory_space<hbm>> -> memref<1x4x1x1024xf32, #tpu.memory_space<hbm>>
        %dma_wait3A_597 = tpu.memref_squeeze %dma_wait3A_596 : memref<1x4x1x1024xf32, #tpu.memory_space<hbm>> -> memref<4x1024xf32, #tpu.memory_space<hbm>>
        %dma_wait3A_598 = arith.constant 0 : i32
        %dma_wait3A_599 = arith.constant 0 : i32
        %dma_wait3A_600 = tpu.memref_slice %arg4[%dma_wait3A_590, %dma_wait3A_598, %add3A_589, %dma_wait3A_599] : memref<200x4x128x1024xf32, #tpu.memory_space<hbm>> -> memref<1x4x1x1024xf32, #tpu.memory_space<hbm>>
        %dma_wait3A_601 = tpu.memref_squeeze %dma_wait3A_600 : memref<1x4x1x1024xf32, #tpu.memory_space<hbm>> -> memref<4x1024xf32, #tpu.memory_space<hbm>>
        %dma_wait3A_602 = arith.constant 0 : i32
        %dma_wait3A_603 = arith.constant 0 : i32
        %dma_wait3A_604 = tpu.memref_slice %arg11[%dma_wait3A_602, %dma_wait3A_603] : memref<16x1024xf32, #tpu.memory_space<vmem>> -> memref<4x1024xf32, #tpu.memory_space<vmem>>
        tpu.wait_dma2 semaphore(%arg17 : memref<!tpu.dma_semaphore, #tpu.memory_space<semaphore_mem>>) src(%dma_wait3A_604 : memref<4x1024xf32, #tpu.memory_space<vmem>>) dst(%dma_wait3A_601 : memref<4x1024xf32, #tpu.memory_space<hbm>>)
        %add3A_605 = arith.constant 1 : i32
        %add3A_606 = arith.addi %mul3A_4, %add3A_605 : i32
        %dma_wait3A_607 = arith.constant 0 : i32
        %dma_wait3A_608 = arith.constant 4 : i32
        %dma_wait3A_609 = arith.constant 0 : i32
        %dma_wait3A_610 = tpu.memref_slice %arg11[%dma_wait3A_608, %dma_wait3A_609] : memref<16x1024xf32, #tpu.memory_space<vmem>> -> memref<4x1024xf32, #tpu.memory_space<vmem>>
        %dma_wait3A_611 = arith.constant 0 : i32
        %dma_wait3A_612 = arith.constant 0 : i32
        %dma_wait3A_613 = tpu.memref_slice %arg4[%dma_wait3A_607, %dma_wait3A_611, %add3A_606, %dma_wait3A_612] : memref<200x4x128x1024xf32, #tpu.memory_space<hbm>> -> memref<1x4x1x1024xf32, #tpu.memory_space<hbm>>
        %dma_wait3A_614 = tpu.memref_squeeze %dma_wait3A_613 : memref<1x4x1x1024xf32, #tpu.memory_space<hbm>> -> memref<4x1024xf32, #tpu.memory_space<hbm>>
        %dma_wait3A_615 = arith.constant 0 : i32
        %dma_wait3A_616 = arith.constant 0 : i32
        %dma_wait3A_617 = tpu.memref_slice %arg4[%dma_wait3A_607, %dma_wait3A_615, %add3A_606, %dma_wait3A_616] : memref<200x4x128x1024xf32, #tpu.memory_space<hbm>> -> memref<1x4x1x1024xf32, #tpu.memory_space<hbm>>
        %dma_wait3A_618 = tpu.memref_squeeze %dma_wait3A_617 : memref<1x4x1x1024xf32, #tpu.memory_space<hbm>> -> memref<4x1024xf32, #tpu.memory_space<hbm>>
        %dma_wait3A_619 = arith.constant 4 : i32
        %dma_wait3A_620 = arith.constant 0 : i32
        %dma_wait3A_621 = tpu.memref_slice %arg11[%dma_wait3A_619, %dma_wait3A_620] : memref<16x1024xf32, #tpu.memory_space<vmem>> -> memref<4x1024xf32, #tpu.memory_space<vmem>>
        tpu.wait_dma2 semaphore(%arg17 : memref<!tpu.dma_semaphore, #tpu.memory_space<semaphore_mem>>) src(%dma_wait3A_621 : memref<4x1024xf32, #tpu.memory_space<vmem>>) dst(%dma_wait3A_618 : memref<4x1024xf32, #tpu.memory_space<hbm>>)
        %add3A_622 = arith.constant 2 : i32
        %add3A_623 = arith.addi %mul3A_4, %add3A_622 : i32
        %dma_wait3A_624 = arith.constant 0 : i32
        %dma_wait3A_625 = arith.constant 8 : i32
        %dma_wait3A_626 = arith.constant 0 : i32
        %dma_wait3A_627 = tpu.memref_slice %arg11[%dma_wait3A_625, %dma_wait3A_626] : memref<16x1024xf32, #tpu.memory_space<vmem>> -> memref<4x1024xf32, #tpu.memory_space<vmem>>
        %dma_wait3A_628 = arith.constant 0 : i32
        %dma_wait3A_629 = arith.constant 0 : i32
        %dma_wait3A_630 = tpu.memref_slice %arg4[%dma_wait3A_624, %dma_wait3A_628, %add3A_623, %dma_wait3A_629] : memref<200x4x128x1024xf32, #tpu.memory_space<hbm>> -> memref<1x4x1x1024xf32, #tpu.memory_space<hbm>>
        %dma_wait3A_631 = tpu.memref_squeeze %dma_wait3A_630 : memref<1x4x1x1024xf32, #tpu.memory_space<hbm>> -> memref<4x1024xf32, #tpu.memory_space<hbm>>
        %dma_wait3A_632 = arith.constant 0 : i32
        %dma_wait3A_633 = arith.constant 0 : i32
        %dma_wait3A_634 = tpu.memref_slice %arg4[%dma_wait3A_624, %dma_wait3A_632, %add3A_623, %dma_wait3A_633] : memref<200x4x128x1024xf32, #tpu.memory_space<hbm>> -> memref<1x4x1x1024xf32, #tpu.memory_space<hbm>>
        %dma_wait3A_635 = tpu.memref_squeeze %dma_wait3A_634 : memref<1x4x1x1024xf32, #tpu.memory_space<hbm>> -> memref<4x1024xf32, #tpu.memory_space<hbm>>
        %dma_wait3A_636 = arith.constant 8 : i32
        %dma_wait3A_637 = arith.constant 0 : i32
        %dma_wait3A_638 = tpu.memref_slice %arg11[%dma_wait3A_636, %dma_wait3A_637] : memref<16x1024xf32, #tpu.memory_space<vmem>> -> memref<4x1024xf32, #tpu.memory_space<vmem>>
        tpu.wait_dma2 semaphore(%arg17 : memref<!tpu.dma_semaphore, #tpu.memory_space<semaphore_mem>>) src(%dma_wait3A_638 : memref<4x1024xf32, #tpu.memory_space<vmem>>) dst(%dma_wait3A_635 : memref<4x1024xf32, #tpu.memory_space<hbm>>)
        %add3A_639 = arith.constant 3 : i32
        %add3A_640 = arith.addi %mul3A_4, %add3A_639 : i32
        %dma_wait3A_641 = arith.constant 0 : i32
        %dma_wait3A_642 = arith.constant 12 : i32
        %dma_wait3A_643 = arith.constant 0 : i32
        %dma_wait3A_644 = tpu.memref_slice %arg11[%dma_wait3A_642, %dma_wait3A_643] : memref<16x1024xf32, #tpu.memory_space<vmem>> -> memref<4x1024xf32, #tpu.memory_space<vmem>>
        %dma_wait3A_645 = arith.constant 0 : i32
        %dma_wait3A_646 = arith.constant 0 : i32
        %dma_wait3A_647 = tpu.memref_slice %arg4[%dma_wait3A_641, %dma_wait3A_645, %add3A_640, %dma_wait3A_646] : memref<200x4x128x1024xf32, #tpu.memory_space<hbm>> -> memref<1x4x1x1024xf32, #tpu.memory_space<hbm>>
        %dma_wait3A_648 = tpu.memref_squeeze %dma_wait3A_647 : memref<1x4x1x1024xf32, #tpu.memory_space<hbm>> -> memref<4x1024xf32, #tpu.memory_space<hbm>>
        %dma_wait3A_649 = arith.constant 0 : i32
        %dma_wait3A_650 = arith.constant 0 : i32
        %dma_wait3A_651 = tpu.memref_slice %arg4[%dma_wait3A_641, %dma_wait3A_649, %add3A_640, %dma_wait3A_650] : memref<200x4x128x1024xf32, #tpu.memory_space<hbm>> -> memref<1x4x1x1024xf32, #tpu.memory_space<hbm>>
        %dma_wait3A_652 = tpu.memref_squeeze %dma_wait3A_651 : memref<1x4x1x1024xf32, #tpu.memory_space<hbm>> -> memref<4x1024xf32, #tpu.memory_space<hbm>>
        %dma_wait3A_653 = arith.constant 12 : i32
        %dma_wait3A_654 = arith.constant 0 : i32
        %dma_wait3A_655 = tpu.memref_slice %arg11[%dma_wait3A_653, %dma_wait3A_654] : memref<16x1024xf32, #tpu.memory_space<vmem>> -> memref<4x1024xf32, #tpu.memory_space<vmem>>
        tpu.wait_dma2 semaphore(%arg17 : memref<!tpu.dma_semaphore, #tpu.memory_space<semaphore_mem>>) src(%dma_wait3A_655 : memref<4x1024xf32, #tpu.memory_space<vmem>>) dst(%dma_wait3A_652 : memref<4x1024xf32, #tpu.memory_space<hbm>>)
      } else {
      }
      %add3A_192 = arith.constant 0 : i32
      %add3A_193 = vector.broadcast %add3A_192 : i32 to vector<16xi32>
      %add3A_194 = arith.addi %iota3A, %add3A_193 : vector<16xi32>
      %add3A_195 = arith.constant 16 : i32
      %add3A_196 = vector.broadcast %add3A_195 : i32 to vector<16xi32>
      %add3A_197 = arith.addi %iota3A, %add3A_196 : vector<16xi32>
      %add3A_198 = arith.constant 32 : i32
      %add3A_199 = vector.broadcast %add3A_198 : i32 to vector<16xi32>
      %add3A_200 = arith.addi %iota3A, %add3A_199 : vector<16xi32>
      %add3A_201 = arith.constant 48 : i32
      %add3A_202 = vector.broadcast %add3A_201 : i32 to vector<16xi32>
      %add3A_203 = arith.addi %iota3A, %add3A_202 : vector<16xi32>
      %add3A_204 = arith.constant 64 : i32
      %add3A_205 = vector.broadcast %add3A_204 : i32 to vector<16xi32>
      %add3A_206 = arith.addi %iota3A, %add3A_205 : vector<16xi32>
      %add3A_207 = arith.constant 80 : i32
      %add3A_208 = vector.broadcast %add3A_207 : i32 to vector<16xi32>
      %add3A_209 = arith.addi %iota3A, %add3A_208 : vector<16xi32>
      %add3A_210 = arith.constant 96 : i32
      %add3A_211 = vector.broadcast %add3A_210 : i32 to vector<16xi32>
      %add3A_212 = arith.addi %iota3A, %add3A_211 : vector<16xi32>
      %add3A_213 = arith.constant 112 : i32
      %add3A_214 = vector.broadcast %add3A_213 : i32 to vector<16xi32>
      %add3A_215 = arith.addi %iota3A, %add3A_214 : vector<16xi32>
      %scan3A_216 = arith.constant 0 : i32
      %scan3A_217 = arith.constant 0 : i32
      %scan3A_218 = arith.constant 32 : i32
      %scan3A_219 = arith.addi %scan3A_217, %scan3A_218 : i32
      %scan3A_220 = arith.constant 1 : i32
      scf.for %scan3A_588 = %scan3A_217 to %scan3A_219 step %scan3A_220  : i32 {
        %broadcast_in_dim3A = vector.broadcast %scan3A_588 : i32 to vector<16xi32>
        %shift_right_arithmetic3A = arith.constant 3 : i32
        %shift_right_arithmetic3A_589 = arith.shrsi %scan3A_588, %shift_right_arithmetic3A : i32
        %add3A_590 = arith.constant 0 : i32
        %add3A_591 = arith.addi %add3A_590, %shift_right_arithmetic3A_589 : i32
        %and3A = arith.constant 7 : i32
        %and3A_592 = arith.andi %scan3A_588, %and3A : i32
        %mul3A_593 = arith.constant 128 : i32
        %mul3A_594 = arith.muli %and3A_592, %mul3A_593 : i32
        %gather3A = tpu.vector_load_idx %arg9[%add3A_194, %broadcast_in_dim3A] : memref<512x33xf32, #tpu.memory_space<vmem>>[vector<16xi32>, vector<16xi32>], vector<16xf32>,
        %gather3A_595 = tpu.vector_load_idx %arg9[%add3A_197, %broadcast_in_dim3A] : memref<512x33xf32, #tpu.memory_space<vmem>>[vector<16xi32>, vector<16xi32>], vector<16xf32>,
        %gather3A_596 = tpu.vector_load_idx %arg9[%add3A_200, %broadcast_in_dim3A] : memref<512x33xf32, #tpu.memory_space<vmem>>[vector<16xi32>, vector<16xi32>], vector<16xf32>,
        %gather3A_597 = tpu.vector_load_idx %arg9[%add3A_203, %broadcast_in_dim3A] : memref<512x33xf32, #tpu.memory_space<vmem>>[vector<16xi32>, vector<16xi32>], vector<16xf32>,
        %gather3A_598 = tpu.vector_load_idx %arg9[%add3A_206, %broadcast_in_dim3A] : memref<512x33xf32, #tpu.memory_space<vmem>>[vector<16xi32>, vector<16xi32>], vector<16xf32>,
        %gather3A_599 = tpu.vector_load_idx %arg9[%add3A_209, %broadcast_in_dim3A] : memref<512x33xf32, #tpu.memory_space<vmem>>[vector<16xi32>, vector<16xi32>], vector<16xf32>,
        %gather3A_600 = tpu.vector_load_idx %arg9[%add3A_212, %broadcast_in_dim3A] : memref<512x33xf32, #tpu.memory_space<vmem>>[vector<16xi32>, vector<16xi32>], vector<16xf32>,
        %gather3A_601 = tpu.vector_load_idx %arg9[%add3A_215, %broadcast_in_dim3A] : memref<512x33xf32, #tpu.memory_space<vmem>>[vector<16xi32>, vector<16xi32>], vector<16xf32>,
        %add3A_602 = arith.constant 0 : i32
        %add3A_603 = arith.addi %mul3A_594, %add3A_602 : i32
        %swap3A = arith.index_cast %add3A_591 : i32 to index
        %swap3A_604 = arith.index_cast %add3A_603 : i32 to index
        %swap3A_605 = tpu.vector_load %arg11[%swap3A, %swap3A_604] {strides = array<i32>} : memref<16x1024xf32, #tpu.memory_space<vmem>>, vector<16xf32>,
        tpu.vector_store %arg11[%swap3A, %swap3A_604], %gather3A {strides = array<i32>} : memref<16x1024xf32, #tpu.memory_space<vmem>>, vector<16xf32>,
        %add3A_606 = arith.constant 16 : i32
        %add3A_607 = arith.addi %mul3A_594, %add3A_606 : i32
        %swap3A_608 = arith.index_cast %add3A_591 : i32 to index
        %swap3A_609 = arith.index_cast %add3A_607 : i32 to index
        %swap3A_610 = tpu.vector_load %arg11[%swap3A_608, %swap3A_609] {strides = array<i32>} : memref<16x1024xf32, #tpu.memory_space<vmem>>, vector<16xf32>,
        tpu.vector_store %arg11[%swap3A_608, %swap3A_609], %gather3A_595 {strides = array<i32>} : memref<16x1024xf32, #tpu.memory_space<vmem>>, vector<16xf32>,
        %add3A_611 = arith.constant 32 : i32
        %add3A_612 = arith.addi %mul3A_594, %add3A_611 : i32
        %swap3A_613 = arith.index_cast %add3A_591 : i32 to index
        %swap3A_614 = arith.index_cast %add3A_612 : i32 to index
        %swap3A_615 = tpu.vector_load %arg11[%swap3A_613, %swap3A_614] {strides = array<i32>} : memref<16x1024xf32, #tpu.memory_space<vmem>>, vector<16xf32>,
        tpu.vector_store %arg11[%swap3A_613, %swap3A_614], %gather3A_596 {strides = array<i32>} : memref<16x1024xf32, #tpu.memory_space<vmem>>, vector<16xf32>,
        %add3A_616 = arith.constant 48 : i32
        %add3A_617 = arith.addi %mul3A_594, %add3A_616 : i32
        %swap3A_618 = arith.index_cast %add3A_591 : i32 to index
        %swap3A_619 = arith.index_cast %add3A_617 : i32 to index
        %swap3A_620 = tpu.vector_load %arg11[%swap3A_618, %swap3A_619] {strides = array<i32>} : memref<16x1024xf32, #tpu.memory_space<vmem>>, vector<16xf32>,
        tpu.vector_store %arg11[%swap3A_618, %swap3A_619], %gather3A_597 {strides = array<i32>} : memref<16x1024xf32, #tpu.memory_space<vmem>>, vector<16xf32>,
        %add3A_621 = arith.constant 64 : i32
        %add3A_622 = arith.addi %mul3A_594, %add3A_621 : i32
        %swap3A_623 = arith.index_cast %add3A_591 : i32 to index
        %swap3A_624 = arith.index_cast %add3A_622 : i32 to index
        %swap3A_625 = tpu.vector_load %arg11[%swap3A_623, %swap3A_624] {strides = array<i32>} : memref<16x1024xf32, #tpu.memory_space<vmem>>, vector<16xf32>,
        tpu.vector_store %arg11[%swap3A_623, %swap3A_624], %gather3A_598 {strides = array<i32>} : memref<16x1024xf32, #tpu.memory_space<vmem>>, vector<16xf32>,
        %add3A_626 = arith.constant 80 : i32
        %add3A_627 = arith.addi %mul3A_594, %add3A_626 : i32
        %swap3A_628 = arith.index_cast %add3A_591 : i32 to index
        %swap3A_629 = arith.index_cast %add3A_627 : i32 to index
        %swap3A_630 = tpu.vector_load %arg11[%swap3A_628, %swap3A_629] {strides = array<i32>} : memref<16x1024xf32, #tpu.memory_space<vmem>>, vector<16xf32>,
        tpu.vector_store %arg11[%swap3A_628, %swap3A_629], %gather3A_599 {strides = array<i32>} : memref<16x1024xf32, #tpu.memory_space<vmem>>, vector<16xf32>,
        %add3A_631 = arith.constant 96 : i32
        %add3A_632 = arith.addi %mul3A_594, %add3A_631 : i32
        %swap3A_633 = arith.index_cast %add3A_591 : i32 to index
        %swap3A_634 = arith.index_cast %add3A_632 : i32 to index
        %swap3A_635 = tpu.vector_load %arg11[%swap3A_633, %swap3A_634] {strides = array<i32>} : memref<16x1024xf32, #tpu.memory_space<vmem>>, vector<16xf32>,
        tpu.vector_store %arg11[%swap3A_633, %swap3A_634], %gather3A_600 {strides = array<i32>} : memref<16x1024xf32, #tpu.memory_space<vmem>>, vector<16xf32>,
        %add3A_636 = arith.constant 112 : i32
        %add3A_637 = arith.addi %mul3A_594, %add3A_636 : i32
        %swap3A_638 = arith.index_cast %add3A_591 : i32 to index
        %swap3A_639 = arith.index_cast %add3A_637 : i32 to index
        %swap3A_640 = tpu.vector_load %arg11[%swap3A_638, %swap3A_639] {strides = array<i32>} : memref<16x1024xf32, #tpu.memory_space<vmem>>, vector<16xf32>,
        tpu.vector_store %arg11[%swap3A_638, %swap3A_639], %gather3A_601 {strides = array<i32>} : memref<16x1024xf32, #tpu.memory_space<vmem>>, vector<16xf32>,
      }
      %scan3A_221 = arith.constant 32 : i32
      %add3A_222 = arith.constant 128 : i32
      %add3A_223 = vector.broadcast %add3A_222 : i32 to vector<16xi32>
      %add3A_224 = arith.addi %iota3A, %add3A_223 : vector<16xi32>
      %add3A_225 = arith.constant 144 : i32
      %add3A_226 = vector.broadcast %add3A_225 : i32 to vector<16xi32>
      %add3A_227 = arith.addi %iota3A, %add3A_226 : vector<16xi32>
      %add3A_228 = arith.constant 160 : i32
      %add3A_229 = vector.broadcast %add3A_228 : i32 to vector<16xi32>
      %add3A_230 = arith.addi %iota3A, %add3A_229 : vector<16xi32>
      %add3A_231 = arith.constant 176 : i32
      %add3A_232 = vector.broadcast %add3A_231 : i32 to vector<16xi32>
      %add3A_233 = arith.addi %iota3A, %add3A_232 : vector<16xi32>
      %add3A_234 = arith.constant 192 : i32
      %add3A_235 = vector.broadcast %add3A_234 : i32 to vector<16xi32>
      %add3A_236 = arith.addi %iota3A, %add3A_235 : vector<16xi32>
      %add3A_237 = arith.constant 208 : i32
      %add3A_238 = vector.broadcast %add3A_237 : i32 to vector<16xi32>
      %add3A_239 = arith.addi %iota3A, %add3A_238 : vector<16xi32>
      %add3A_240 = arith.constant 224 : i32
      %add3A_241 = vector.broadcast %add3A_240 : i32 to vector<16xi32>
      %add3A_242 = arith.addi %iota3A, %add3A_241 : vector<16xi32>
      %add3A_243 = arith.constant 240 : i32
      %add3A_244 = vector.broadcast %add3A_243 : i32 to vector<16xi32>
      %add3A_245 = arith.addi %iota3A, %add3A_244 : vector<16xi32>
      %scan3A_246 = arith.constant 0 : i32
      %scan3A_247 = arith.constant 0 : i32
      %scan3A_248 = arith.constant 32 : i32
      %scan3A_249 = arith.addi %scan3A_247, %scan3A_248 : i32
      %scan3A_250 = arith.constant 1 : i32
      scf.for %scan3A_588 = %scan3A_247 to %scan3A_249 step %scan3A_250  : i32 {
        %broadcast_in_dim3A = vector.broadcast %scan3A_588 : i32 to vector<16xi32>
        %shift_right_arithmetic3A = arith.constant 3 : i32
        %shift_right_arithmetic3A_589 = arith.shrsi %scan3A_588, %shift_right_arithmetic3A : i32
        %add3A_590 = arith.constant 4 : i32
        %add3A_591 = arith.addi %add3A_590, %shift_right_arithmetic3A_589 : i32
        %and3A = arith.constant 7 : i32
        %and3A_592 = arith.andi %scan3A_588, %and3A : i32
        %mul3A_593 = arith.constant 128 : i32
        %mul3A_594 = arith.muli %and3A_592, %mul3A_593 : i32
        %gather3A = tpu.vector_load_idx %arg9[%add3A_224, %broadcast_in_dim3A] : memref<512x33xf32, #tpu.memory_space<vmem>>[vector<16xi32>, vector<16xi32>], vector<16xf32>,
        %gather3A_595 = tpu.vector_load_idx %arg9[%add3A_227, %broadcast_in_dim3A] : memref<512x33xf32, #tpu.memory_space<vmem>>[vector<16xi32>, vector<16xi32>], vector<16xf32>,
        %gather3A_596 = tpu.vector_load_idx %arg9[%add3A_230, %broadcast_in_dim3A] : memref<512x33xf32, #tpu.memory_space<vmem>>[vector<16xi32>, vector<16xi32>], vector<16xf32>,
        %gather3A_597 = tpu.vector_load_idx %arg9[%add3A_233, %broadcast_in_dim3A] : memref<512x33xf32, #tpu.memory_space<vmem>>[vector<16xi32>, vector<16xi32>], vector<16xf32>,
        %gather3A_598 = tpu.vector_load_idx %arg9[%add3A_236, %broadcast_in_dim3A] : memref<512x33xf32, #tpu.memory_space<vmem>>[vector<16xi32>, vector<16xi32>], vector<16xf32>,
        %gather3A_599 = tpu.vector_load_idx %arg9[%add3A_239, %broadcast_in_dim3A] : memref<512x33xf32, #tpu.memory_space<vmem>>[vector<16xi32>, vector<16xi32>], vector<16xf32>,
        %gather3A_600 = tpu.vector_load_idx %arg9[%add3A_242, %broadcast_in_dim3A] : memref<512x33xf32, #tpu.memory_space<vmem>>[vector<16xi32>, vector<16xi32>], vector<16xf32>,
        %gather3A_601 = tpu.vector_load_idx %arg9[%add3A_245, %broadcast_in_dim3A] : memref<512x33xf32, #tpu.memory_space<vmem>>[vector<16xi32>, vector<16xi32>], vector<16xf32>,
        %add3A_602 = arith.constant 0 : i32
        %add3A_603 = arith.addi %mul3A_594, %add3A_602 : i32
        %swap3A = arith.index_cast %add3A_591 : i32 to index
        %swap3A_604 = arith.index_cast %add3A_603 : i32 to index
        %swap3A_605 = tpu.vector_load %arg11[%swap3A, %swap3A_604] {strides = array<i32>} : memref<16x1024xf32, #tpu.memory_space<vmem>>, vector<16xf32>,
        tpu.vector_store %arg11[%swap3A, %swap3A_604], %gather3A {strides = array<i32>} : memref<16x1024xf32, #tpu.memory_space<vmem>>, vector<16xf32>,
        %add3A_606 = arith.constant 16 : i32
        %add3A_607 = arith.addi %mul3A_594, %add3A_606 : i32
        %swap3A_608 = arith.index_cast %add3A_591 : i32 to index
        %swap3A_609 = arith.index_cast %add3A_607 : i32 to index
        %swap3A_610 = tpu.vector_load %arg11[%swap3A_608, %swap3A_609] {strides = array<i32>} : memref<16x1024xf32, #tpu.memory_space<vmem>>, vector<16xf32>,
        tpu.vector_store %arg11[%swap3A_608, %swap3A_609], %gather3A_595 {strides = array<i32>} : memref<16x1024xf32, #tpu.memory_space<vmem>>, vector<16xf32>,
        %add3A_611 = arith.constant 32 : i32
        %add3A_612 = arith.addi %mul3A_594, %add3A_611 : i32
        %swap3A_613 = arith.index_cast %add3A_591 : i32 to index
        %swap3A_614 = arith.index_cast %add3A_612 : i32 to index
        %swap3A_615 = tpu.vector_load %arg11[%swap3A_613, %swap3A_614] {strides = array<i32>} : memref<16x1024xf32, #tpu.memory_space<vmem>>, vector<16xf32>,
        tpu.vector_store %arg11[%swap3A_613, %swap3A_614], %gather3A_596 {strides = array<i32>} : memref<16x1024xf32, #tpu.memory_space<vmem>>, vector<16xf32>,
        %add3A_616 = arith.constant 48 : i32
        %add3A_617 = arith.addi %mul3A_594, %add3A_616 : i32
        %swap3A_618 = arith.index_cast %add3A_591 : i32 to index
        %swap3A_619 = arith.index_cast %add3A_617 : i32 to index
        %swap3A_620 = tpu.vector_load %arg11[%swap3A_618, %swap3A_619] {strides = array<i32>} : memref<16x1024xf32, #tpu.memory_space<vmem>>, vector<16xf32>,
        tpu.vector_store %arg11[%swap3A_618, %swap3A_619], %gather3A_597 {strides = array<i32>} : memref<16x1024xf32, #tpu.memory_space<vmem>>, vector<16xf32>,
        %add3A_621 = arith.constant 64 : i32
        %add3A_622 = arith.addi %mul3A_594, %add3A_621 : i32
        %swap3A_623 = arith.index_cast %add3A_591 : i32 to index
        %swap3A_624 = arith.index_cast %add3A_622 : i32 to index
        %swap3A_625 = tpu.vector_load %arg11[%swap3A_623, %swap3A_624] {strides = array<i32>} : memref<16x1024xf32, #tpu.memory_space<vmem>>, vector<16xf32>,
        tpu.vector_store %arg11[%swap3A_623, %swap3A_624], %gather3A_598 {strides = array<i32>} : memref<16x1024xf32, #tpu.memory_space<vmem>>, vector<16xf32>,
        %add3A_626 = arith.constant 80 : i32
        %add3A_627 = arith.addi %mul3A_594, %add3A_626 : i32
        %swap3A_628 = arith.index_cast %add3A_591 : i32 to index
        %swap3A_629 = arith.index_cast %add3A_627 : i32 to index
        %swap3A_630 = tpu.vector_load %arg11[%swap3A_628, %swap3A_629] {strides = array<i32>} : memref<16x1024xf32, #tpu.memory_space<vmem>>, vector<16xf32>,
        tpu.vector_store %arg11[%swap3A_628, %swap3A_629], %gather3A_599 {strides = array<i32>} : memref<16x1024xf32, #tpu.memory_space<vmem>>, vector<16xf32>,
        %add3A_631 = arith.constant 96 : i32
        %add3A_632 = arith.addi %mul3A_594, %add3A_631 : i32
        %swap3A_633 = arith.index_cast %add3A_591 : i32 to index
        %swap3A_634 = arith.index_cast %add3A_632 : i32 to index
        %swap3A_635 = tpu.vector_load %arg11[%swap3A_633, %swap3A_634] {strides = array<i32>} : memref<16x1024xf32, #tpu.memory_space<vmem>>, vector<16xf32>,
        tpu.vector_store %arg11[%swap3A_633, %swap3A_634], %gather3A_600 {strides = array<i32>} : memref<16x1024xf32, #tpu.memory_space<vmem>>, vector<16xf32>,
        %add3A_636 = arith.constant 112 : i32
        %add3A_637 = arith.addi %mul3A_594, %add3A_636 : i32
        %swap3A_638 = arith.index_cast %add3A_591 : i32 to index
        %swap3A_639 = arith.index_cast %add3A_637 : i32 to index
        %swap3A_640 = tpu.vector_load %arg11[%swap3A_638, %swap3A_639] {strides = array<i32>} : memref<16x1024xf32, #tpu.memory_space<vmem>>, vector<16xf32>,
        tpu.vector_store %arg11[%swap3A_638, %swap3A_639], %gather3A_601 {strides = array<i32>} : memref<16x1024xf32, #tpu.memory_space<vmem>>, vector<16xf32>,
      }
      %scan3A_251 = arith.constant 32 : i32
      %add3A_252 = arith.constant 256 : i32
      %add3A_253 = vector.broadcast %add3A_252 : i32 to vector<16xi32>
      %add3A_254 = arith.addi %iota3A, %add3A_253 : vector<16xi32>
      %add3A_255 = arith.constant 272 : i32
      %add3A_256 = vector.broadcast %add3A_255 : i32 to vector<16xi32>
      %add3A_257 = arith.addi %iota3A, %add3A_256 : vector<16xi32>
      %add3A_258 = arith.constant 288 : i32
      %add3A_259 = vector.broadcast %add3A_258 : i32 to vector<16xi32>
      %add3A_260 = arith.addi %iota3A, %add3A_259 : vector<16xi32>
      %add3A_261 = arith.constant 304 : i32
      %add3A_262 = vector.broadcast %add3A_261 : i32 to vector<16xi32>
      %add3A_263 = arith.addi %iota3A, %add3A_262 : vector<16xi32>
      %add3A_264 = arith.constant 320 : i32
      %add3A_265 = vector.broadcast %add3A_264 : i32 to vector<16xi32>
      %add3A_266 = arith.addi %iota3A, %add3A_265 : vector<16xi32>
      %add3A_267 = arith.constant 336 : i32
      %add3A_268 = vector.broadcast %add3A_267 : i32 to vector<16xi32>
      %add3A_269 = arith.addi %iota3A, %add3A_268 : vector<16xi32>
      %add3A_270 = arith.constant 352 : i32
      %add3A_271 = vector.broadcast %add3A_270 : i32 to vector<16xi32>
      %add3A_272 = arith.addi %iota3A, %add3A_271 : vector<16xi32>
      %add3A_273 = arith.constant 368 : i32
      %add3A_274 = vector.broadcast %add3A_273 : i32 to vector<16xi32>
      %add3A_275 = arith.addi %iota3A, %add3A_274 : vector<16xi32>
      %scan3A_276 = arith.constant 0 : i32
      %scan3A_277 = arith.constant 0 : i32
      %scan3A_278 = arith.constant 32 : i32
      %scan3A_279 = arith.addi %scan3A_277, %scan3A_278 : i32
      %scan3A_280 = arith.constant 1 : i32
      scf.for %scan3A_588 = %scan3A_277 to %scan3A_279 step %scan3A_280  : i32 {
        %broadcast_in_dim3A = vector.broadcast %scan3A_588 : i32 to vector<16xi32>
        %shift_right_arithmetic3A = arith.constant 3 : i32
        %shift_right_arithmetic3A_589 = arith.shrsi %scan3A_588, %shift_right_arithmetic3A : i32
        %add3A_590 = arith.constant 8 : i32
        %add3A_591 = arith.addi %add3A_590, %shift_right_arithmetic3A_589 : i32
        %and3A = arith.constant 7 : i32
        %and3A_592 = arith.andi %scan3A_588, %and3A : i32
        %mul3A_593 = arith.constant 128 : i32
        %mul3A_594 = arith.muli %and3A_592, %mul3A_593 : i32
        %gather3A = tpu.vector_load_idx %arg9[%add3A_254, %broadcast_in_dim3A] : memref<512x33xf32, #tpu.memory_space<vmem>>[vector<16xi32>, vector<16xi32>], vector<16xf32>,
        %gather3A_595 = tpu.vector_load_idx %arg9[%add3A_257, %broadcast_in_dim3A] : memref<512x33xf32, #tpu.memory_space<vmem>>[vector<16xi32>, vector<16xi32>], vector<16xf32>,
        %gather3A_596 = tpu.vector_load_idx %arg9[%add3A_260, %broadcast_in_dim3A] : memref<512x33xf32, #tpu.memory_space<vmem>>[vector<16xi32>, vector<16xi32>], vector<16xf32>,
        %gather3A_597 = tpu.vector_load_idx %arg9[%add3A_263, %broadcast_in_dim3A] : memref<512x33xf32, #tpu.memory_space<vmem>>[vector<16xi32>, vector<16xi32>], vector<16xf32>,
        %gather3A_598 = tpu.vector_load_idx %arg9[%add3A_266, %broadcast_in_dim3A] : memref<512x33xf32, #tpu.memory_space<vmem>>[vector<16xi32>, vector<16xi32>], vector<16xf32>,
        %gather3A_599 = tpu.vector_load_idx %arg9[%add3A_269, %broadcast_in_dim3A] : memref<512x33xf32, #tpu.memory_space<vmem>>[vector<16xi32>, vector<16xi32>], vector<16xf32>,
        %gather3A_600 = tpu.vector_load_idx %arg9[%add3A_272, %broadcast_in_dim3A] : memref<512x33xf32, #tpu.memory_space<vmem>>[vector<16xi32>, vector<16xi32>], vector<16xf32>,
        %gather3A_601 = tpu.vector_load_idx %arg9[%add3A_275, %broadcast_in_dim3A] : memref<512x33xf32, #tpu.memory_space<vmem>>[vector<16xi32>, vector<16xi32>], vector<16xf32>,
        %add3A_602 = arith.constant 0 : i32
        %add3A_603 = arith.addi %mul3A_594, %add3A_602 : i32
        %swap3A = arith.index_cast %add3A_591 : i32 to index
        %swap3A_604 = arith.index_cast %add3A_603 : i32 to index
        %swap3A_605 = tpu.vector_load %arg11[%swap3A, %swap3A_604] {strides = array<i32>} : memref<16x1024xf32, #tpu.memory_space<vmem>>, vector<16xf32>,
        tpu.vector_store %arg11[%swap3A, %swap3A_604], %gather3A {strides = array<i32>} : memref<16x1024xf32, #tpu.memory_space<vmem>>, vector<16xf32>,
        %add3A_606 = arith.constant 16 : i32
        %add3A_607 = arith.addi %mul3A_594, %add3A_606 : i32
        %swap3A_608 = arith.index_cast %add3A_591 : i32 to index
        %swap3A_609 = arith.index_cast %add3A_607 : i32 to index
        %swap3A_610 = tpu.vector_load %arg11[%swap3A_608, %swap3A_609] {strides = array<i32>} : memref<16x1024xf32, #tpu.memory_space<vmem>>, vector<16xf32>,
        tpu.vector_store %arg11[%swap3A_608, %swap3A_609], %gather3A_595 {strides = array<i32>} : memref<16x1024xf32, #tpu.memory_space<vmem>>, vector<16xf32>,
        %add3A_611 = arith.constant 32 : i32
        %add3A_612 = arith.addi %mul3A_594, %add3A_611 : i32
        %swap3A_613 = arith.index_cast %add3A_591 : i32 to index
        %swap3A_614 = arith.index_cast %add3A_612 : i32 to index
        %swap3A_615 = tpu.vector_load %arg11[%swap3A_613, %swap3A_614] {strides = array<i32>} : memref<16x1024xf32, #tpu.memory_space<vmem>>, vector<16xf32>,
        tpu.vector_store %arg11[%swap3A_613, %swap3A_614], %gather3A_596 {strides = array<i32>} : memref<16x1024xf32, #tpu.memory_space<vmem>>, vector<16xf32>,
        %add3A_616 = arith.constant 48 : i32
        %add3A_617 = arith.addi %mul3A_594, %add3A_616 : i32
        %swap3A_618 = arith.index_cast %add3A_591 : i32 to index
        %swap3A_619 = arith.index_cast %add3A_617 : i32 to index
        %swap3A_620 = tpu.vector_load %arg11[%swap3A_618, %swap3A_619] {strides = array<i32>} : memref<16x1024xf32, #tpu.memory_space<vmem>>, vector<16xf32>,
        tpu.vector_store %arg11[%swap3A_618, %swap3A_619], %gather3A_597 {strides = array<i32>} : memref<16x1024xf32, #tpu.memory_space<vmem>>, vector<16xf32>,
        %add3A_621 = arith.constant 64 : i32
        %add3A_622 = arith.addi %mul3A_594, %add3A_621 : i32
        %swap3A_623 = arith.index_cast %add3A_591 : i32 to index
        %swap3A_624 = arith.index_cast %add3A_622 : i32 to index
        %swap3A_625 = tpu.vector_load %arg11[%swap3A_623, %swap3A_624] {strides = array<i32>} : memref<16x1024xf32, #tpu.memory_space<vmem>>, vector<16xf32>,
        tpu.vector_store %arg11[%swap3A_623, %swap3A_624], %gather3A_598 {strides = array<i32>} : memref<16x1024xf32, #tpu.memory_space<vmem>>, vector<16xf32>,
        %add3A_626 = arith.constant 80 : i32
        %add3A_627 = arith.addi %mul3A_594, %add3A_626 : i32
        %swap3A_628 = arith.index_cast %add3A_591 : i32 to index
        %swap3A_629 = arith.index_cast %add3A_627 : i32 to index
        %swap3A_630 = tpu.vector_load %arg11[%swap3A_628, %swap3A_629] {strides = array<i32>} : memref<16x1024xf32, #tpu.memory_space<vmem>>, vector<16xf32>,
        tpu.vector_store %arg11[%swap3A_628, %swap3A_629], %gather3A_599 {strides = array<i32>} : memref<16x1024xf32, #tpu.memory_space<vmem>>, vector<16xf32>,
        %add3A_631 = arith.constant 96 : i32
        %add3A_632 = arith.addi %mul3A_594, %add3A_631 : i32
        %swap3A_633 = arith.index_cast %add3A_591 : i32 to index
        %swap3A_634 = arith.index_cast %add3A_632 : i32 to index
        %swap3A_635 = tpu.vector_load %arg11[%swap3A_633, %swap3A_634] {strides = array<i32>} : memref<16x1024xf32, #tpu.memory_space<vmem>>, vector<16xf32>,
        tpu.vector_store %arg11[%swap3A_633, %swap3A_634], %gather3A_600 {strides = array<i32>} : memref<16x1024xf32, #tpu.memory_space<vmem>>, vector<16xf32>,
        %add3A_636 = arith.constant 112 : i32
        %add3A_637 = arith.addi %mul3A_594, %add3A_636 : i32
        %swap3A_638 = arith.index_cast %add3A_591 : i32 to index
        %swap3A_639 = arith.index_cast %add3A_637 : i32 to index
        %swap3A_640 = tpu.vector_load %arg11[%swap3A_638, %swap3A_639] {strides = array<i32>} : memref<16x1024xf32, #tpu.memory_space<vmem>>, vector<16xf32>,
        tpu.vector_store %arg11[%swap3A_638, %swap3A_639], %gather3A_601 {strides = array<i32>} : memref<16x1024xf32, #tpu.memory_space<vmem>>, vector<16xf32>,
      }
      %scan3A_281 = arith.constant 32 : i32
      %add3A_282 = arith.constant 384 : i32
      %add3A_283 = vector.broadcast %add3A_282 : i32 to vector<16xi32>
      %add3A_284 = arith.addi %iota3A, %add3A_283 : vector<16xi32>
      %add3A_285 = arith.constant 400 : i32
      %add3A_286 = vector.broadcast %add3A_285 : i32 to vector<16xi32>
      %add3A_287 = arith.addi %iota3A, %add3A_286 : vector<16xi32>
      %add3A_288 = arith.constant 416 : i32
      %add3A_289 = vector.broadcast %add3A_288 : i32 to vector<16xi32>
      %add3A_290 = arith.addi %iota3A, %add3A_289 : vector<16xi32>
      %add3A_291 = arith.constant 432 : i32
      %add3A_292 = vector.broadcast %add3A_291 : i32 to vector<16xi32>
      %add3A_293 = arith.addi %iota3A, %add3A_292 : vector<16xi32>
      %add3A_294 = arith.constant 448 : i32
      %add3A_295 = vector.broadcast %add3A_294 : i32 to vector<16xi32>
      %add3A_296 = arith.addi %iota3A, %add3A_295 : vector<16xi32>
      %add3A_297 = arith.constant 464 : i32
      %add3A_298 = vector.broadcast %add3A_297 : i32 to vector<16xi32>
      %add3A_299 = arith.addi %iota3A, %add3A_298 : vector<16xi32>
      %add3A_300 = arith.constant 480 : i32
      %add3A_301 = vector.broadcast %add3A_300 : i32 to vector<16xi32>
      %add3A_302 = arith.addi %iota3A, %add3A_301 : vector<16xi32>
      %add3A_303 = arith.constant 496 : i32
      %add3A_304 = vector.broadcast %add3A_303 : i32 to vector<16xi32>
      %add3A_305 = arith.addi %iota3A, %add3A_304 : vector<16xi32>
      %scan3A_306 = arith.constant 0 : i32
      %scan3A_307 = arith.constant 0 : i32
      %scan3A_308 = arith.constant 32 : i32
      %scan3A_309 = arith.addi %scan3A_307, %scan3A_308 : i32
      %scan3A_310 = arith.constant 1 : i32
      scf.for %scan3A_588 = %scan3A_307 to %scan3A_309 step %scan3A_310  : i32 {
        %broadcast_in_dim3A = vector.broadcast %scan3A_588 : i32 to vector<16xi32>
        %shift_right_arithmetic3A = arith.constant 3 : i32
        %shift_right_arithmetic3A_589 = arith.shrsi %scan3A_588, %shift_right_arithmetic3A : i32
        %add3A_590 = arith.constant 12 : i32
        %add3A_591 = arith.addi %add3A_590, %shift_right_arithmetic3A_589 : i32
        %and3A = arith.constant 7 : i32
        %and3A_592 = arith.andi %scan3A_588, %and3A : i32
        %mul3A_593 = arith.constant 128 : i32
        %mul3A_594 = arith.muli %and3A_592, %mul3A_593 : i32
        %gather3A = tpu.vector_load_idx %arg9[%add3A_284, %broadcast_in_dim3A] : memref<512x33xf32, #tpu.memory_space<vmem>>[vector<16xi32>, vector<16xi32>], vector<16xf32>,
        %gather3A_595 = tpu.vector_load_idx %arg9[%add3A_287, %broadcast_in_dim3A] : memref<512x33xf32, #tpu.memory_space<vmem>>[vector<16xi32>, vector<16xi32>], vector<16xf32>,
        %gather3A_596 = tpu.vector_load_idx %arg9[%add3A_290, %broadcast_in_dim3A] : memref<512x33xf32, #tpu.memory_space<vmem>>[vector<16xi32>, vector<16xi32>], vector<16xf32>,
        %gather3A_597 = tpu.vector_load_idx %arg9[%add3A_293, %broadcast_in_dim3A] : memref<512x33xf32, #tpu.memory_space<vmem>>[vector<16xi32>, vector<16xi32>], vector<16xf32>,
        %gather3A_598 = tpu.vector_load_idx %arg9[%add3A_296, %broadcast_in_dim3A] : memref<512x33xf32, #tpu.memory_space<vmem>>[vector<16xi32>, vector<16xi32>], vector<16xf32>,
        %gather3A_599 = tpu.vector_load_idx %arg9[%add3A_299, %broadcast_in_dim3A] : memref<512x33xf32, #tpu.memory_space<vmem>>[vector<16xi32>, vector<16xi32>], vector<16xf32>,
        %gather3A_600 = tpu.vector_load_idx %arg9[%add3A_302, %broadcast_in_dim3A] : memref<512x33xf32, #tpu.memory_space<vmem>>[vector<16xi32>, vector<16xi32>], vector<16xf32>,
        %gather3A_601 = tpu.vector_load_idx %arg9[%add3A_305, %broadcast_in_dim3A] : memref<512x33xf32, #tpu.memory_space<vmem>>[vector<16xi32>, vector<16xi32>], vector<16xf32>,
        %add3A_602 = arith.constant 0 : i32
        %add3A_603 = arith.addi %mul3A_594, %add3A_602 : i32
        %swap3A = arith.index_cast %add3A_591 : i32 to index
        %swap3A_604 = arith.index_cast %add3A_603 : i32 to index
        %swap3A_605 = tpu.vector_load %arg11[%swap3A, %swap3A_604] {strides = array<i32>} : memref<16x1024xf32, #tpu.memory_space<vmem>>, vector<16xf32>,
        tpu.vector_store %arg11[%swap3A, %swap3A_604], %gather3A {strides = array<i32>} : memref<16x1024xf32, #tpu.memory_space<vmem>>, vector<16xf32>,
        %add3A_606 = arith.constant 16 : i32
        %add3A_607 = arith.addi %mul3A_594, %add3A_606 : i32
        %swap3A_608 = arith.index_cast %add3A_591 : i32 to index
        %swap3A_609 = arith.index_cast %add3A_607 : i32 to index
        %swap3A_610 = tpu.vector_load %arg11[%swap3A_608, %swap3A_609] {strides = array<i32>} : memref<16x1024xf32, #tpu.memory_space<vmem>>, vector<16xf32>,
        tpu.vector_store %arg11[%swap3A_608, %swap3A_609], %gather3A_595 {strides = array<i32>} : memref<16x1024xf32, #tpu.memory_space<vmem>>, vector<16xf32>,
        %add3A_611 = arith.constant 32 : i32
        %add3A_612 = arith.addi %mul3A_594, %add3A_611 : i32
        %swap3A_613 = arith.index_cast %add3A_591 : i32 to index
        %swap3A_614 = arith.index_cast %add3A_612 : i32 to index
        %swap3A_615 = tpu.vector_load %arg11[%swap3A_613, %swap3A_614] {strides = array<i32>} : memref<16x1024xf32, #tpu.memory_space<vmem>>, vector<16xf32>,
        tpu.vector_store %arg11[%swap3A_613, %swap3A_614], %gather3A_596 {strides = array<i32>} : memref<16x1024xf32, #tpu.memory_space<vmem>>, vector<16xf32>,
        %add3A_616 = arith.constant 48 : i32
        %add3A_617 = arith.addi %mul3A_594, %add3A_616 : i32
        %swap3A_618 = arith.index_cast %add3A_591 : i32 to index
        %swap3A_619 = arith.index_cast %add3A_617 : i32 to index
        %swap3A_620 = tpu.vector_load %arg11[%swap3A_618, %swap3A_619] {strides = array<i32>} : memref<16x1024xf32, #tpu.memory_space<vmem>>, vector<16xf32>,
        tpu.vector_store %arg11[%swap3A_618, %swap3A_619], %gather3A_597 {strides = array<i32>} : memref<16x1024xf32, #tpu.memory_space<vmem>>, vector<16xf32>,
        %add3A_621 = arith.constant 64 : i32
        %add3A_622 = arith.addi %mul3A_594, %add3A_621 : i32
        %swap3A_623 = arith.index_cast %add3A_591 : i32 to index
        %swap3A_624 = arith.index_cast %add3A_622 : i32 to index
        %swap3A_625 = tpu.vector_load %arg11[%swap3A_623, %swap3A_624] {strides = array<i32>} : memref<16x1024xf32, #tpu.memory_space<vmem>>, vector<16xf32>,
        tpu.vector_store %arg11[%swap3A_623, %swap3A_624], %gather3A_598 {strides = array<i32>} : memref<16x1024xf32, #tpu.memory_space<vmem>>, vector<16xf32>,
        %add3A_626 = arith.constant 80 : i32
        %add3A_627 = arith.addi %mul3A_594, %add3A_626 : i32
        %swap3A_628 = arith.index_cast %add3A_591 : i32 to index
        %swap3A_629 = arith.index_cast %add3A_627 : i32 to index
        %swap3A_630 = tpu.vector_load %arg11[%swap3A_628, %swap3A_629] {strides = array<i32>} : memref<16x1024xf32, #tpu.memory_space<vmem>>, vector<16xf32>,
        tpu.vector_store %arg11[%swap3A_628, %swap3A_629], %gather3A_599 {strides = array<i32>} : memref<16x1024xf32, #tpu.memory_space<vmem>>, vector<16xf32>,
        %add3A_631 = arith.constant 96 : i32
        %add3A_632 = arith.addi %mul3A_594, %add3A_631 : i32
        %swap3A_633 = arith.index_cast %add3A_591 : i32 to index
        %swap3A_634 = arith.index_cast %add3A_632 : i32 to index
        %swap3A_635 = tpu.vector_load %arg11[%swap3A_633, %swap3A_634] {strides = array<i32>} : memref<16x1024xf32, #tpu.memory_space<vmem>>, vector<16xf32>,
        tpu.vector_store %arg11[%swap3A_633, %swap3A_634], %gather3A_600 {strides = array<i32>} : memref<16x1024xf32, #tpu.memory_space<vmem>>, vector<16xf32>,
        %add3A_636 = arith.constant 112 : i32
        %add3A_637 = arith.addi %mul3A_594, %add3A_636 : i32
        %swap3A_638 = arith.index_cast %add3A_591 : i32 to index
        %swap3A_639 = arith.index_cast %add3A_637 : i32 to index
        %swap3A_640 = tpu.vector_load %arg11[%swap3A_638, %swap3A_639] {strides = array<i32>} : memref<16x1024xf32, #tpu.memory_space<vmem>>, vector<16xf32>,
        tpu.vector_store %arg11[%swap3A_638, %swap3A_639], %gather3A_601 {strides = array<i32>} : memref<16x1024xf32, #tpu.memory_space<vmem>>, vector<16xf32>,
      }
      %scan3A_311 = arith.constant 32 : i32
      %add3A_312 = arith.constant 0 : i32
      %add3A_313 = arith.addi %mul3A_4, %add3A_312 : i32
      %dma_start3A_314 = arith.constant 0 : i32
      %dma_start3A_315 = arith.constant 0 : i32
      %dma_start3A_316 = tpu.memref_slice %arg11[%dma_start3A_314, %dma_start3A_315] : memref<16x1024xf32, #tpu.memory_space<vmem>> -> memref<4x1024xf32, #tpu.memory_space<vmem>>
      %dma_start3A_317 = arith.constant 0 : i32
      %dma_start3A_318 = arith.constant 0 : i32
      %dma_start3A_319 = tpu.memref_slice %arg4[%mul3A_164, %dma_start3A_317, %add3A_313, %dma_start3A_318] : memref<200x4x128x1024xf32, #tpu.memory_space<hbm>> -> memref<1x4x1x1024xf32, #tpu.memory_space<hbm>>
      %dma_start3A_320 = tpu.memref_squeeze %dma_start3A_319 : memref<1x4x1x1024xf32, #tpu.memory_space<hbm>> -> memref<4x1024xf32, #tpu.memory_space<hbm>>
      %dma_start3A_321 = arith.constant 0 : i32
      %dma_start3A_322 = arith.constant 0 : i32
      %dma_start3A_323 = tpu.memref_slice %arg4[%mul3A_164, %dma_start3A_321, %add3A_313, %dma_start3A_322] : memref<200x4x128x1024xf32, #tpu.memory_space<hbm>> -> memref<1x4x1x1024xf32, #tpu.memory_space<hbm>>
      %dma_start3A_324 = tpu.memref_squeeze %dma_start3A_323 : memref<1x4x1x1024xf32, #tpu.memory_space<hbm>> -> memref<4x1024xf32, #tpu.memory_space<hbm>>
      %dma_start3A_325 = arith.constant 0 : i32
      %dma_start3A_326 = arith.constant 0 : i32
      %dma_start3A_327 = tpu.memref_slice %arg11[%dma_start3A_325, %dma_start3A_326] : memref<16x1024xf32, #tpu.memory_space<vmem>> -> memref<4x1024xf32, #tpu.memory_space<vmem>>
      tpu.enqueue_dma source(%dma_start3A_327 : memref<4x1024xf32, #tpu.memory_space<vmem>>) target(%dma_start3A_324 : memref<4x1024xf32, #tpu.memory_space<hbm>>) target_semaphore(%arg17 : memref<!tpu.dma_semaphore, #tpu.memory_space<semaphore_mem>>)
      %add3A_328 = arith.constant 1 : i32
      %add3A_329 = arith.addi %mul3A_4, %add3A_328 : i32
      %dma_start3A_330 = arith.constant 4 : i32
      %dma_start3A_331 = arith.constant 0 : i32
      %dma_start3A_332 = tpu.memref_slice %arg11[%dma_start3A_330, %dma_start3A_331] : memref<16x1024xf32, #tpu.memory_space<vmem>> -> memref<4x1024xf32, #tpu.memory_space<vmem>>
      %dma_start3A_333 = arith.constant 0 : i32
      %dma_start3A_334 = arith.constant 0 : i32
      %dma_start3A_335 = tpu.memref_slice %arg4[%mul3A_164, %dma_start3A_333, %add3A_329, %dma_start3A_334] : memref<200x4x128x1024xf32, #tpu.memory_space<hbm>> -> memref<1x4x1x1024xf32, #tpu.memory_space<hbm>>
      %dma_start3A_336 = tpu.memref_squeeze %dma_start3A_335 : memref<1x4x1x1024xf32, #tpu.memory_space<hbm>> -> memref<4x1024xf32, #tpu.memory_space<hbm>>
      %dma_start3A_337 = arith.constant 0 : i32
      %dma_start3A_338 = arith.constant 0 : i32
      %dma_start3A_339 = tpu.memref_slice %arg4[%mul3A_164, %dma_start3A_337, %add3A_329, %dma_start3A_338] : memref<200x4x128x1024xf32, #tpu.memory_space<hbm>> -> memref<1x4x1x1024xf32, #tpu.memory_space<hbm>>
      %dma_start3A_340 = tpu.memref_squeeze %dma_start3A_339 : memref<1x4x1x1024xf32, #tpu.memory_space<hbm>> -> memref<4x1024xf32, #tpu.memory_space<hbm>>
      %dma_start3A_341 = arith.constant 4 : i32
      %dma_start3A_342 = arith.constant 0 : i32
      %dma_start3A_343 = tpu.memref_slice %arg11[%dma_start3A_341, %dma_start3A_342] : memref<16x1024xf32, #tpu.memory_space<vmem>> -> memref<4x1024xf32, #tpu.memory_space<vmem>>
      tpu.enqueue_dma source(%dma_start3A_343 : memref<4x1024xf32, #tpu.memory_space<vmem>>) target(%dma_start3A_340 : memref<4x1024xf32, #tpu.memory_space<hbm>>) target_semaphore(%arg17 : memref<!tpu.dma_semaphore, #tpu.memory_space<semaphore_mem>>)
      %add3A_344 = arith.constant 2 : i32
      %add3A_345 = arith.addi %mul3A_4, %add3A_344 : i32
      %dma_start3A_346 = arith.constant 8 : i32
      %dma_start3A_347 = arith.constant 0 : i32
      %dma_start3A_348 = tpu.memref_slice %arg11[%dma_start3A_346, %dma_start3A_347] : memref<16x1024xf32, #tpu.memory_space<vmem>> -> memref<4x1024xf32, #tpu.memory_space<vmem>>
      %dma_start3A_349 = arith.constant 0 : i32
      %dma_start3A_350 = arith.constant 0 : i32
      %dma_start3A_351 = tpu.memref_slice %arg4[%mul3A_164, %dma_start3A_349, %add3A_345, %dma_start3A_350] : memref<200x4x128x1024xf32, #tpu.memory_space<hbm>> -> memref<1x4x1x1024xf32, #tpu.memory_space<hbm>>
      %dma_start3A_352 = tpu.memref_squeeze %dma_start3A_351 : memref<1x4x1x1024xf32, #tpu.memory_space<hbm>> -> memref<4x1024xf32, #tpu.memory_space<hbm>>
      %dma_start3A_353 = arith.constant 0 : i32
      %dma_start3A_354 = arith.constant 0 : i32
      %dma_start3A_355 = tpu.memref_slice %arg4[%mul3A_164, %dma_start3A_353, %add3A_345, %dma_start3A_354] : memref<200x4x128x1024xf32, #tpu.memory_space<hbm>> -> memref<1x4x1x1024xf32, #tpu.memory_space<hbm>>
      %dma_start3A_356 = tpu.memref_squeeze %dma_start3A_355 : memref<1x4x1x1024xf32, #tpu.memory_space<hbm>> -> memref<4x1024xf32, #tpu.memory_space<hbm>>
      %dma_start3A_357 = arith.constant 8 : i32
      %dma_start3A_358 = arith.constant 0 : i32
      %dma_start3A_359 = tpu.memref_slice %arg11[%dma_start3A_357, %dma_start3A_358] : memref<16x1024xf32, #tpu.memory_space<vmem>> -> memref<4x1024xf32, #tpu.memory_space<vmem>>
      tpu.enqueue_dma source(%dma_start3A_359 : memref<4x1024xf32, #tpu.memory_space<vmem>>) target(%dma_start3A_356 : memref<4x1024xf32, #tpu.memory_space<hbm>>) target_semaphore(%arg17 : memref<!tpu.dma_semaphore, #tpu.memory_space<semaphore_mem>>)
      %add3A_360 = arith.constant 3 : i32
      %add3A_361 = arith.addi %mul3A_4, %add3A_360 : i32
      %dma_start3A_362 = arith.constant 12 : i32
      %dma_start3A_363 = arith.constant 0 : i32
      %dma_start3A_364 = tpu.memref_slice %arg11[%dma_start3A_362, %dma_start3A_363] : memref<16x1024xf32, #tpu.memory_space<vmem>> -> memref<4x1024xf32, #tpu.memory_space<vmem>>
      %dma_start3A_365 = arith.constant 0 : i32
      %dma_start3A_366 = arith.constant 0 : i32
      %dma_start3A_367 = tpu.memref_slice %arg4[%mul3A_164, %dma_start3A_365, %add3A_361, %dma_start3A_366] : memref<200x4x128x1024xf32, #tpu.memory_space<hbm>> -> memref<1x4x1x1024xf32, #tpu.memory_space<hbm>>
      %dma_start3A_368 = tpu.memref_squeeze %dma_start3A_367 : memref<1x4x1x1024xf32, #tpu.memory_space<hbm>> -> memref<4x1024xf32, #tpu.memory_space<hbm>>
      %dma_start3A_369 = arith.constant 0 : i32
      %dma_start3A_370 = arith.constant 0 : i32
      %dma_start3A_371 = tpu.memref_slice %arg4[%mul3A_164, %dma_start3A_369, %add3A_361, %dma_start3A_370] : memref<200x4x128x1024xf32, #tpu.memory_space<hbm>> -> memref<1x4x1x1024xf32, #tpu.memory_space<hbm>>
      %dma_start3A_372 = tpu.memref_squeeze %dma_start3A_371 : memref<1x4x1x1024xf32, #tpu.memory_space<hbm>> -> memref<4x1024xf32, #tpu.memory_space<hbm>>
      %dma_start3A_373 = arith.constant 12 : i32
      %dma_start3A_374 = arith.constant 0 : i32
      %dma_start3A_375 = tpu.memref_slice %arg11[%dma_start3A_373, %dma_start3A_374] : memref<16x1024xf32, #tpu.memory_space<vmem>> -> memref<4x1024xf32, #tpu.memory_space<vmem>>
      tpu.enqueue_dma source(%dma_start3A_375 : memref<4x1024xf32, #tpu.memory_space<vmem>>) target(%dma_start3A_372 : memref<4x1024xf32, #tpu.memory_space<hbm>>) target_semaphore(%arg17 : memref<!tpu.dma_semaphore, #tpu.memory_space<semaphore_mem>>)
      %dma_wait3A_376 = arith.constant 0 : i32
      %dma_wait3A_377 = arith.constant 0 : i32
      %dma_wait3A_378 = tpu.memref_slice %arg2[%dma_wait3A_376, %dma_wait3A_377] : memref<100000x32xf32, #tpu.memory_space<hbm>> -> memref<100000x32xf32, #tpu.memory_space<hbm>>
      tpu.wait_indirect_dma semaphore(%arg16 : memref<!tpu.dma_semaphore, #tpu.memory_space<semaphore_mem>>) src(%dma_wait3A_378 : memref<100000x32xf32, #tpu.memory_space<hbm>>) dst(%arg8 : memref<512x32xf32, #tpu.memory_space<vmem>>)
      %add3A_379 = arith.constant 2 : i32
      %add3A_380 = arith.addi %add3A_166, %add3A_379 : i32
      %lt3A_381 = arith.constant 200 : i32
      %lt3A_382 = arith.cmpi slt, %add3A_380, %lt3A_381 : i32
      %convert_element_type3A_383 = arith.extui %lt3A_382 : i1 to i32
      %cond3A_384 = arith.constant 0 : i32
      %cond3A_385 = arith.cmpi ne, %convert_element_type3A_383, %cond3A_384 : i32
      scf.if %cond3A_385 {
        %add3A_588 = arith.constant 2 : i32
        %add3A_589 = arith.addi %add3A_166, %add3A_588 : i32
        %dma_start3A_590 = tpu.memref_slice %arg3[%add3A_589, %mul3A_2] : memref<200x16384xi32, #tpu.memory_space<hbm>> -> memref<1x512xi32, #tpu.memory_space<hbm>>
        %dma_start3A_591 = tpu.memref_squeeze %dma_start3A_590 : memref<1x512xi32, #tpu.memory_space<hbm>> -> memref<512xi32, #tpu.memory_space<hbm>>
        %dma_start3A_592 = tpu.memref_slice %arg3[%add3A_589, %mul3A_2] : memref<200x16384xi32, #tpu.memory_space<hbm>> -> memref<1x512xi32, #tpu.memory_space<hbm>>
        %dma_start3A_593 = tpu.memref_squeeze %dma_start3A_592 : memref<1x512xi32, #tpu.memory_space<hbm>> -> memref<512xi32, #tpu.memory_space<hbm>>
        tpu.enqueue_dma source(%dma_start3A_593 : memref<512xi32, #tpu.memory_space<hbm>>) target(%arg6 : memref<512xi32, #tpu.memory_space<vmem>>) target_semaphore(%arg14 : memref<!tpu.dma_semaphore, #tpu.memory_space<semaphore_mem>>)
      } else {
      }
      %scan3A_386 = arith.constant 0 : i32
      %scan3A_387 = arith.constant 0 : i32
      %scan3A_388 = arith.constant 128 : i32
      %scan3A_389 = arith.addi %scan3A_387, %scan3A_388 : i32
      %scan3A_390 = arith.constant 1 : i32
      scf.for %scan3A_588 = %scan3A_387 to %scan3A_389 step %scan3A_390  : i32 {
        %mul3A_589 = arith.constant 4 : i32
        %mul3A_590 = arith.muli %mul3A_589, %scan3A_588 : i32
        %add3A_591 = arith.constant 0 : i32
        %add3A_592 = arith.addi %mul3A_590, %add3A_591 : i32
        %get3A = arith.index_cast %add3A_592 : i32 to index
        %get3A_593 = arith.constant 0 : index
        %get3A_594 = tpu.vector_load %arg8[%get3A, %get3A_593] {strides = array<i32>} : memref<512x32xf32, #tpu.memory_space<vmem>>, vector<16xf32>,
        %get3A_595 = arith.index_cast %add3A_592 : i32 to index
        %get3A_596 = arith.constant 16 : index
        %get3A_597 = tpu.vector_load %arg8[%get3A_595, %get3A_596] {strides = array<i32>} : memref<512x32xf32, #tpu.memory_space<vmem>>, vector<16xf32>,
        %mul3A_598 = arith.constant 4 : i32
        %mul3A_599 = arith.muli %mul3A_598, %scan3A_588 : i32
        %add3A_600 = arith.constant 1 : i32
        %add3A_601 = arith.addi %mul3A_599, %add3A_600 : i32
        %get3A_602 = arith.index_cast %add3A_601 : i32 to index
        %get3A_603 = arith.constant 0 : index
        %get3A_604 = tpu.vector_load %arg8[%get3A_602, %get3A_603] {strides = array<i32>} : memref<512x32xf32, #tpu.memory_space<vmem>>, vector<16xf32>,
        %get3A_605 = arith.index_cast %add3A_601 : i32 to index
        %get3A_606 = arith.constant 16 : index
        %get3A_607 = tpu.vector_load %arg8[%get3A_605, %get3A_606] {strides = array<i32>} : memref<512x32xf32, #tpu.memory_space<vmem>>, vector<16xf32>,
        %mul3A_608 = arith.constant 4 : i32
        %mul3A_609 = arith.muli %mul3A_608, %scan3A_588 : i32
        %add3A_610 = arith.constant 2 : i32
        %add3A_611 = arith.addi %mul3A_609, %add3A_610 : i32
        %get3A_612 = arith.index_cast %add3A_611 : i32 to index
        %get3A_613 = arith.constant 0 : index
        %get3A_614 = tpu.vector_load %arg8[%get3A_612, %get3A_613] {strides = array<i32>} : memref<512x32xf32, #tpu.memory_space<vmem>>, vector<16xf32>,
        %get3A_615 = arith.index_cast %add3A_611 : i32 to index
        %get3A_616 = arith.constant 16 : index
        %get3A_617 = tpu.vector_load %arg8[%get3A_615, %get3A_616] {strides = array<i32>} : memref<512x32xf32, #tpu.memory_space<vmem>>, vector<16xf32>,
        %mul3A_618 = arith.constant 4 : i32
        %mul3A_619 = arith.muli %mul3A_618, %scan3A_588 : i32
        %add3A_620 = arith.constant 3 : i32
        %add3A_621 = arith.addi %mul3A_619, %add3A_620 : i32
        %get3A_622 = arith.index_cast %add3A_621 : i32 to index
        %get3A_623 = arith.constant 0 : index
        %get3A_624 = tpu.vector_load %arg8[%get3A_622, %get3A_623] {strides = array<i32>} : memref<512x32xf32, #tpu.memory_space<vmem>>, vector<16xf32>,
        %get3A_625 = arith.index_cast %add3A_621 : i32 to index
        %get3A_626 = arith.constant 16 : index
        %get3A_627 = tpu.vector_load %arg8[%get3A_625, %get3A_626] {strides = array<i32>} : memref<512x32xf32, #tpu.memory_space<vmem>>, vector<16xf32>,
        %swap3A = arith.index_cast %add3A_592 : i32 to index
        %swap3A_628 = arith.constant 0 : index
        %swap3A_629 = tpu.vector_load %arg10[%swap3A, %swap3A_628] {strides = array<i32>} : memref<512x33xf32, #tpu.memory_space<vmem>>, vector<16xf32>,
        tpu.vector_store %arg10[%swap3A, %swap3A_628], %get3A_594 {strides = array<i32>} : memref<512x33xf32, #tpu.memory_space<vmem>>, vector<16xf32>,
        %swap3A_630 = arith.index_cast %add3A_592 : i32 to index
        %swap3A_631 = arith.constant 16 : index
        %swap3A_632 = tpu.vector_load %arg10[%swap3A_630, %swap3A_631] {strides = array<i32>} : memref<512x33xf32, #tpu.memory_space<vmem>>, vector<16xf32>,
        tpu.vector_store %arg10[%swap3A_630, %swap3A_631], %get3A_597 {strides = array<i32>} : memref<512x33xf32, #tpu.memory_space<vmem>>, vector<16xf32>,
        %swap3A_633 = arith.index_cast %add3A_601 : i32 to index
        %swap3A_634 = arith.constant 0 : index
        %swap3A_635 = tpu.vector_load %arg10[%swap3A_633, %swap3A_634] {strides = array<i32>} : memref<512x33xf32, #tpu.memory_space<vmem>>, vector<16xf32>,
        tpu.vector_store %arg10[%swap3A_633, %swap3A_634], %get3A_604 {strides = array<i32>} : memref<512x33xf32, #tpu.memory_space<vmem>>, vector<16xf32>,
        %swap3A_636 = arith.index_cast %add3A_601 : i32 to index
        %swap3A_637 = arith.constant 16 : index
        %swap3A_638 = tpu.vector_load %arg10[%swap3A_636, %swap3A_637] {strides = array<i32>} : memref<512x33xf32, #tpu.memory_space<vmem>>, vector<16xf32>,
        tpu.vector_store %arg10[%swap3A_636, %swap3A_637], %get3A_607 {strides = array<i32>} : memref<512x33xf32, #tpu.memory_space<vmem>>, vector<16xf32>,
        %swap3A_639 = arith.index_cast %add3A_611 : i32 to index
        %swap3A_640 = arith.constant 0 : index
        %swap3A_641 = tpu.vector_load %arg10[%swap3A_639, %swap3A_640] {strides = array<i32>} : memref<512x33xf32, #tpu.memory_space<vmem>>, vector<16xf32>,
        tpu.vector_store %arg10[%swap3A_639, %swap3A_640], %get3A_614 {strides = array<i32>} : memref<512x33xf32, #tpu.memory_space<vmem>>, vector<16xf32>,
        %swap3A_642 = arith.index_cast %add3A_611 : i32 to index
        %swap3A_643 = arith.constant 16 : index
        %swap3A_644 = tpu.vector_load %arg10[%swap3A_642, %swap3A_643] {strides = array<i32>} : memref<512x33xf32, #tpu.memory_space<vmem>>, vector<16xf32>,
        tpu.vector_store %arg10[%swap3A_642, %swap3A_643], %get3A_617 {strides = array<i32>} : memref<512x33xf32, #tpu.memory_space<vmem>>, vector<16xf32>,
        %swap3A_645 = arith.index_cast %add3A_621 : i32 to index
        %swap3A_646 = arith.constant 0 : index
        %swap3A_647 = tpu.vector_load %arg10[%swap3A_645, %swap3A_646] {strides = array<i32>} : memref<512x33xf32, #tpu.memory_space<vmem>>, vector<16xf32>,
        tpu.vector_store %arg10[%swap3A_645, %swap3A_646], %get3A_624 {strides = array<i32>} : memref<512x33xf32, #tpu.memory_space<vmem>>, vector<16xf32>,
        %swap3A_648 = arith.index_cast %add3A_621 : i32 to index
        %swap3A_649 = arith.constant 16 : index
        %swap3A_650 = tpu.vector_load %arg10[%swap3A_648, %swap3A_649] {strides = array<i32>} : memref<512x33xf32, #tpu.memory_space<vmem>>, vector<16xf32>,
        tpu.vector_store %arg10[%swap3A_648, %swap3A_649], %get3A_627 {strides = array<i32>} : memref<512x33xf32, #tpu.memory_space<vmem>>, vector<16xf32>,
      }
      %scan3A_391 = arith.constant 128 : i32
      %add3A_392 = arith.constant 2 : i32
      %add3A_393 = arith.addi %mul3A_164, %add3A_392 : i32
      %lt3A_394 = arith.constant 200 : i32
      %lt3A_395 = arith.cmpi slt, %add3A_393, %lt3A_394 : i32
      %convert_element_type3A_396 = arith.extui %lt3A_395 : i1 to i32
      %cond3A_397 = arith.constant 0 : i32
      %cond3A_398 = arith.cmpi ne, %convert_element_type3A_396, %cond3A_397 : i32
      scf.if %cond3A_398 {
        %dma_wait3A_588 = arith.constant 0 : i32
        %dma_wait3A_589 = tpu.memref_slice %arg3[%dma_wait3A_588, %mul3A_2] : memref<200x16384xi32, #tpu.memory_space<hbm>> -> memref<1x512xi32, #tpu.memory_space<hbm>>
        %dma_wait3A_590 = tpu.memref_squeeze %dma_wait3A_589 : memref<1x512xi32, #tpu.memory_space<hbm>> -> memref<512xi32, #tpu.memory_space<hbm>>
        %dma_wait3A_591 = tpu.memref_slice %arg3[%dma_wait3A_588, %mul3A_2] : memref<200x16384xi32, #tpu.memory_space<hbm>> -> memref<1x512xi32, #tpu.memory_space<hbm>>
        %dma_wait3A_592 = tpu.memref_squeeze %dma_wait3A_591 : memref<1x512xi32, #tpu.memory_space<hbm>> -> memref<512xi32, #tpu.memory_space<hbm>>
        tpu.wait_dma2 semaphore(%arg13 : memref<!tpu.dma_semaphore, #tpu.memory_space<semaphore_mem>>) src(%dma_wait3A_592 : memref<512xi32, #tpu.memory_space<hbm>>) dst(%arg5 : memref<512xi32, #tpu.memory_space<vmem>>)
        %dma_start3A_593 = arith.constant 0 : i32
        %dma_start3A_594 = arith.constant 0 : i32
        %dma_start3A_595 = tpu.memref_slice %arg2[%dma_start3A_593, %dma_start3A_594] : memref<100000x32xf32, #tpu.memory_space<hbm>> -> memref<100000x32xf32, #tpu.memory_space<hbm>>
        tpu.enqueue_indirect_dma source(%dma_start3A_595 : memref<100000x32xf32, #tpu.memory_space<hbm>>) target(%arg7 : memref<512x32xf32, #tpu.memory_space<vmem>>) offsets(%arg5 : memref<512xi32, #tpu.memory_space<vmem>>) semaphore(%arg15 : memref<!tpu.dma_semaphore, #tpu.memory_space<semaphore_mem>>)
      } else {
      }
      %ge3A_399 = arith.constant 1 : i32
      %ge3A_400 = arith.cmpi sge, %scan3A_162, %ge3A_399 : i32
      %convert_element_type3A_401 = arith.extui %ge3A_400 : i1 to i32
      %cond3A_402 = arith.constant 0 : i32
      %cond3A_403 = arith.cmpi ne, %convert_element_type3A_401, %cond3A_402 : i32
      scf.if %cond3A_403 {
        %add3A_588 = arith.constant 0 : i32
        %add3A_589 = arith.addi %mul3A_4, %add3A_588 : i32
        %dma_wait3A_590 = arith.constant 0 : i32
        %dma_wait3A_591 = arith.constant 0 : i32
        %dma_wait3A_592 = arith.constant 0 : i32
        %dma_wait3A_593 = tpu.memref_slice %arg12[%dma_wait3A_591, %dma_wait3A_592] : memref<16x1024xf32, #tpu.memory_space<vmem>> -> memref<4x1024xf32, #tpu.memory_space<vmem>>
        %dma_wait3A_594 = arith.constant 0 : i32
        %dma_wait3A_595 = arith.constant 0 : i32
        %dma_wait3A_596 = tpu.memref_slice %arg4[%dma_wait3A_590, %dma_wait3A_594, %add3A_589, %dma_wait3A_595] : memref<200x4x128x1024xf32, #tpu.memory_space<hbm>> -> memref<1x4x1x1024xf32, #tpu.memory_space<hbm>>
        %dma_wait3A_597 = tpu.memref_squeeze %dma_wait3A_596 : memref<1x4x1x1024xf32, #tpu.memory_space<hbm>> -> memref<4x1024xf32, #tpu.memory_space<hbm>>
        %dma_wait3A_598 = arith.constant 0 : i32
        %dma_wait3A_599 = arith.constant 0 : i32
        %dma_wait3A_600 = tpu.memref_slice %arg4[%dma_wait3A_590, %dma_wait3A_598, %add3A_589, %dma_wait3A_599] : memref<200x4x128x1024xf32, #tpu.memory_space<hbm>> -> memref<1x4x1x1024xf32, #tpu.memory_space<hbm>>
        %dma_wait3A_601 = tpu.memref_squeeze %dma_wait3A_600 : memref<1x4x1x1024xf32, #tpu.memory_space<hbm>> -> memref<4x1024xf32, #tpu.memory_space<hbm>>
        %dma_wait3A_602 = arith.constant 0 : i32
        %dma_wait3A_603 = arith.constant 0 : i32
        %dma_wait3A_604 = tpu.memref_slice %arg12[%dma_wait3A_602, %dma_wait3A_603] : memref<16x1024xf32, #tpu.memory_space<vmem>> -> memref<4x1024xf32, #tpu.memory_space<vmem>>
        tpu.wait_dma2 semaphore(%arg18 : memref<!tpu.dma_semaphore, #tpu.memory_space<semaphore_mem>>) src(%dma_wait3A_604 : memref<4x1024xf32, #tpu.memory_space<vmem>>) dst(%dma_wait3A_601 : memref<4x1024xf32, #tpu.memory_space<hbm>>)
        %add3A_605 = arith.constant 1 : i32
        %add3A_606 = arith.addi %mul3A_4, %add3A_605 : i32
        %dma_wait3A_607 = arith.constant 0 : i32
        %dma_wait3A_608 = arith.constant 4 : i32
        %dma_wait3A_609 = arith.constant 0 : i32
        %dma_wait3A_610 = tpu.memref_slice %arg12[%dma_wait3A_608, %dma_wait3A_609] : memref<16x1024xf32, #tpu.memory_space<vmem>> -> memref<4x1024xf32, #tpu.memory_space<vmem>>
        %dma_wait3A_611 = arith.constant 0 : i32
        %dma_wait3A_612 = arith.constant 0 : i32
        %dma_wait3A_613 = tpu.memref_slice %arg4[%dma_wait3A_607, %dma_wait3A_611, %add3A_606, %dma_wait3A_612] : memref<200x4x128x1024xf32, #tpu.memory_space<hbm>> -> memref<1x4x1x1024xf32, #tpu.memory_space<hbm>>
        %dma_wait3A_614 = tpu.memref_squeeze %dma_wait3A_613 : memref<1x4x1x1024xf32, #tpu.memory_space<hbm>> -> memref<4x1024xf32, #tpu.memory_space<hbm>>
        %dma_wait3A_615 = arith.constant 0 : i32
        %dma_wait3A_616 = arith.constant 0 : i32
        %dma_wait3A_617 = tpu.memref_slice %arg4[%dma_wait3A_607, %dma_wait3A_615, %add3A_606, %dma_wait3A_616] : memref<200x4x128x1024xf32, #tpu.memory_space<hbm>> -> memref<1x4x1x1024xf32, #tpu.memory_space<hbm>>
        %dma_wait3A_618 = tpu.memref_squeeze %dma_wait3A_617 : memref<1x4x1x1024xf32, #tpu.memory_space<hbm>> -> memref<4x1024xf32, #tpu.memory_space<hbm>>
        %dma_wait3A_619 = arith.constant 4 : i32
        %dma_wait3A_620 = arith.constant 0 : i32
        %dma_wait3A_621 = tpu.memref_slice %arg12[%dma_wait3A_619, %dma_wait3A_620] : memref<16x1024xf32, #tpu.memory_space<vmem>> -> memref<4x1024xf32, #tpu.memory_space<vmem>>
        tpu.wait_dma2 semaphore(%arg18 : memref<!tpu.dma_semaphore, #tpu.memory_space<semaphore_mem>>) src(%dma_wait3A_621 : memref<4x1024xf32, #tpu.memory_space<vmem>>) dst(%dma_wait3A_618 : memref<4x1024xf32, #tpu.memory_space<hbm>>)
        %add3A_622 = arith.constant 2 : i32
        %add3A_623 = arith.addi %mul3A_4, %add3A_622 : i32
        %dma_wait3A_624 = arith.constant 0 : i32
        %dma_wait3A_625 = arith.constant 8 : i32
        %dma_wait3A_626 = arith.constant 0 : i32
        %dma_wait3A_627 = tpu.memref_slice %arg12[%dma_wait3A_625, %dma_wait3A_626] : memref<16x1024xf32, #tpu.memory_space<vmem>> -> memref<4x1024xf32, #tpu.memory_space<vmem>>
        %dma_wait3A_628 = arith.constant 0 : i32
        %dma_wait3A_629 = arith.constant 0 : i32
        %dma_wait3A_630 = tpu.memref_slice %arg4[%dma_wait3A_624, %dma_wait3A_628, %add3A_623, %dma_wait3A_629] : memref<200x4x128x1024xf32, #tpu.memory_space<hbm>> -> memref<1x4x1x1024xf32, #tpu.memory_space<hbm>>
        %dma_wait3A_631 = tpu.memref_squeeze %dma_wait3A_630 : memref<1x4x1x1024xf32, #tpu.memory_space<hbm>> -> memref<4x1024xf32, #tpu.memory_space<hbm>>
        %dma_wait3A_632 = arith.constant 0 : i32
        %dma_wait3A_633 = arith.constant 0 : i32
        %dma_wait3A_634 = tpu.memref_slice %arg4[%dma_wait3A_624, %dma_wait3A_632, %add3A_623, %dma_wait3A_633] : memref<200x4x128x1024xf32, #tpu.memory_space<hbm>> -> memref<1x4x1x1024xf32, #tpu.memory_space<hbm>>
        %dma_wait3A_635 = tpu.memref_squeeze %dma_wait3A_634 : memref<1x4x1x1024xf32, #tpu.memory_space<hbm>> -> memref<4x1024xf32, #tpu.memory_space<hbm>>
        %dma_wait3A_636 = arith.constant 8 : i32
        %dma_wait3A_637 = arith.constant 0 : i32
        %dma_wait3A_638 = tpu.memref_slice %arg12[%dma_wait3A_636, %dma_wait3A_637] : memref<16x1024xf32, #tpu.memory_space<vmem>> -> memref<4x1024xf32, #tpu.memory_space<vmem>>
        tpu.wait_dma2 semaphore(%arg18 : memref<!tpu.dma_semaphore, #tpu.memory_space<semaphore_mem>>) src(%dma_wait3A_638 : memref<4x1024xf32, #tpu.memory_space<vmem>>) dst(%dma_wait3A_635 : memref<4x1024xf32, #tpu.memory_space<hbm>>)
        %add3A_639 = arith.constant 3 : i32
        %add3A_640 = arith.addi %mul3A_4, %add3A_639 : i32
        %dma_wait3A_641 = arith.constant 0 : i32
        %dma_wait3A_642 = arith.constant 12 : i32
        %dma_wait3A_643 = arith.constant 0 : i32
        %dma_wait3A_644 = tpu.memref_slice %arg12[%dma_wait3A_642, %dma_wait3A_643] : memref<16x1024xf32, #tpu.memory_space<vmem>> -> memref<4x1024xf32, #tpu.memory_space<vmem>>
        %dma_wait3A_645 = arith.constant 0 : i32
        %dma_wait3A_646 = arith.constant 0 : i32
        %dma_wait3A_647 = tpu.memref_slice %arg4[%dma_wait3A_641, %dma_wait3A_645, %add3A_640, %dma_wait3A_646] : memref<200x4x128x1024xf32, #tpu.memory_space<hbm>> -> memref<1x4x1x1024xf32, #tpu.memory_space<hbm>>
        %dma_wait3A_648 = tpu.memref_squeeze %dma_wait3A_647 : memref<1x4x1x1024xf32, #tpu.memory_space<hbm>> -> memref<4x1024xf32, #tpu.memory_space<hbm>>
        %dma_wait3A_649 = arith.constant 0 : i32
        %dma_wait3A_650 = arith.constant 0 : i32
        %dma_wait3A_651 = tpu.memref_slice %arg4[%dma_wait3A_641, %dma_wait3A_649, %add3A_640, %dma_wait3A_650] : memref<200x4x128x1024xf32, #tpu.memory_space<hbm>> -> memref<1x4x1x1024xf32, #tpu.memory_space<hbm>>
        %dma_wait3A_652 = tpu.memref_squeeze %dma_wait3A_651 : memref<1x4x1x1024xf32, #tpu.memory_space<hbm>> -> memref<4x1024xf32, #tpu.memory_space<hbm>>
        %dma_wait3A_653 = arith.constant 12 : i32
        %dma_wait3A_654 = arith.constant 0 : i32
        %dma_wait3A_655 = tpu.memref_slice %arg12[%dma_wait3A_653, %dma_wait3A_654] : memref<16x1024xf32, #tpu.memory_space<vmem>> -> memref<4x1024xf32, #tpu.memory_space<vmem>>
        tpu.wait_dma2 semaphore(%arg18 : memref<!tpu.dma_semaphore, #tpu.memory_space<semaphore_mem>>) src(%dma_wait3A_655 : memref<4x1024xf32, #tpu.memory_space<vmem>>) dst(%dma_wait3A_652 : memref<4x1024xf32, #tpu.memory_space<hbm>>)
      } else {
      }
      %add3A_404 = arith.constant 0 : i32
      %add3A_405 = vector.broadcast %add3A_404 : i32 to vector<16xi32>
      %add3A_406 = arith.addi %iota3A, %add3A_405 : vector<16xi32>
      %add3A_407 = arith.constant 16 : i32
      %add3A_408 = vector.broadcast %add3A_407 : i32 to vector<16xi32>
      %add3A_409 = arith.addi %iota3A, %add3A_408 : vector<16xi32>
      %add3A_410 = arith.constant 32 : i32
      %add3A_411 = vector.broadcast %add3A_410 : i32 to vector<16xi32>
      %add3A_412 = arith.addi %iota3A, %add3A_411 : vector<16xi32>
      %add3A_413 = arith.constant 48 : i32
      %add3A_414 = vector.broadcast %add3A_413 : i32 to vector<16xi32>
      %add3A_415 = arith.addi %iota3A, %add3A_414 : vector<16xi32>
      %add3A_416 = arith.constant 64 : i32
      %add3A_417 = vector.broadcast %add3A_416 : i32 to vector<16xi32>
      %add3A_418 = arith.addi %iota3A, %add3A_417 : vector<16xi32>
      %add3A_419 = arith.constant 80 : i32
      %add3A_420 = vector.broadcast %add3A_419 : i32 to vector<16xi32>
      %add3A_421 = arith.addi %iota3A, %add3A_420 : vector<16xi32>
      %add3A_422 = arith.constant 96 : i32
      %add3A_423 = vector.broadcast %add3A_422 : i32 to vector<16xi32>
      %add3A_424 = arith.addi %iota3A, %add3A_423 : vector<16xi32>
      %add3A_425 = arith.constant 112 : i32
      %add3A_426 = vector.broadcast %add3A_425 : i32 to vector<16xi32>
      %add3A_427 = arith.addi %iota3A, %add3A_426 : vector<16xi32>
      %scan3A_428 = arith.constant 0 : i32
      %scan3A_429 = arith.constant 0 : i32
      %scan3A_430 = arith.constant 32 : i32
      %scan3A_431 = arith.addi %scan3A_429, %scan3A_430 : i32
      %scan3A_432 = arith.constant 1 : i32
      scf.for %scan3A_588 = %scan3A_429 to %scan3A_431 step %scan3A_432  : i32 {
        %broadcast_in_dim3A = vector.broadcast %scan3A_588 : i32 to vector<16xi32>
        %shift_right_arithmetic3A = arith.constant 3 : i32
        %shift_right_arithmetic3A_589 = arith.shrsi %scan3A_588, %shift_right_arithmetic3A : i32
        %add3A_590 = arith.constant 0 : i32
        %add3A_591 = arith.addi %add3A_590, %shift_right_arithmetic3A_589 : i32
        %and3A = arith.constant 7 : i32
        %and3A_592 = arith.andi %scan3A_588, %and3A : i32
        %mul3A_593 = arith.constant 128 : i32
        %mul3A_594 = arith.muli %and3A_592, %mul3A_593 : i32
        %gather3A = tpu.vector_load_idx %arg10[%add3A_406, %broadcast_in_dim3A] : memref<512x33xf32, #tpu.memory_space<vmem>>[vector<16xi32>, vector<16xi32>], vector<16xf32>,
        %gather3A_595 = tpu.vector_load_idx %arg10[%add3A_409, %broadcast_in_dim3A] : memref<512x33xf32, #tpu.memory_space<vmem>>[vector<16xi32>, vector<16xi32>], vector<16xf32>,
        %gather3A_596 = tpu.vector_load_idx %arg10[%add3A_412, %broadcast_in_dim3A] : memref<512x33xf32, #tpu.memory_space<vmem>>[vector<16xi32>, vector<16xi32>], vector<16xf32>,
        %gather3A_597 = tpu.vector_load_idx %arg10[%add3A_415, %broadcast_in_dim3A] : memref<512x33xf32, #tpu.memory_space<vmem>>[vector<16xi32>, vector<16xi32>], vector<16xf32>,
        %gather3A_598 = tpu.vector_load_idx %arg10[%add3A_418, %broadcast_in_dim3A] : memref<512x33xf32, #tpu.memory_space<vmem>>[vector<16xi32>, vector<16xi32>], vector<16xf32>,
        %gather3A_599 = tpu.vector_load_idx %arg10[%add3A_421, %broadcast_in_dim3A] : memref<512x33xf32, #tpu.memory_space<vmem>>[vector<16xi32>, vector<16xi32>], vector<16xf32>,
        %gather3A_600 = tpu.vector_load_idx %arg10[%add3A_424, %broadcast_in_dim3A] : memref<512x33xf32, #tpu.memory_space<vmem>>[vector<16xi32>, vector<16xi32>], vector<16xf32>,
        %gather3A_601 = tpu.vector_load_idx %arg10[%add3A_427, %broadcast_in_dim3A] : memref<512x33xf32, #tpu.memory_space<vmem>>[vector<16xi32>, vector<16xi32>], vector<16xf32>,
        %add3A_602 = arith.constant 0 : i32
        %add3A_603 = arith.addi %mul3A_594, %add3A_602 : i32
        %swap3A = arith.index_cast %add3A_591 : i32 to index
        %swap3A_604 = arith.index_cast %add3A_603 : i32 to index
        %swap3A_605 = tpu.vector_load %arg12[%swap3A, %swap3A_604] {strides = array<i32>} : memref<16x1024xf32, #tpu.memory_space<vmem>>, vector<16xf32>,
        tpu.vector_store %arg12[%swap3A, %swap3A_604], %gather3A {strides = array<i32>} : memref<16x1024xf32, #tpu.memory_space<vmem>>, vector<16xf32>,
        %add3A_606 = arith.constant 16 : i32
        %add3A_607 = arith.addi %mul3A_594, %add3A_606 : i32
        %swap3A_608 = arith.index_cast %add3A_591 : i32 to index
        %swap3A_609 = arith.index_cast %add3A_607 : i32 to index
        %swap3A_610 = tpu.vector_load %arg12[%swap3A_608, %swap3A_609] {strides = array<i32>} : memref<16x1024xf32, #tpu.memory_space<vmem>>, vector<16xf32>,
        tpu.vector_store %arg12[%swap3A_608, %swap3A_609], %gather3A_595 {strides = array<i32>} : memref<16x1024xf32, #tpu.memory_space<vmem>>, vector<16xf32>,
        %add3A_611 = arith.constant 32 : i32
        %add3A_612 = arith.addi %mul3A_594, %add3A_611 : i32
        %swap3A_613 = arith.index_cast %add3A_591 : i32 to index
        %swap3A_614 = arith.index_cast %add3A_612 : i32 to index
        %swap3A_615 = tpu.vector_load %arg12[%swap3A_613, %swap3A_614] {strides = array<i32>} : memref<16x1024xf32, #tpu.memory_space<vmem>>, vector<16xf32>,
        tpu.vector_store %arg12[%swap3A_613, %swap3A_614], %gather3A_596 {strides = array<i32>} : memref<16x1024xf32, #tpu.memory_space<vmem>>, vector<16xf32>,
        %add3A_616 = arith.constant 48 : i32
        %add3A_617 = arith.addi %mul3A_594, %add3A_616 : i32
        %swap3A_618 = arith.index_cast %add3A_591 : i32 to index
        %swap3A_619 = arith.index_cast %add3A_617 : i32 to index
        %swap3A_620 = tpu.vector_load %arg12[%swap3A_618, %swap3A_619] {strides = array<i32>} : memref<16x1024xf32, #tpu.memory_space<vmem>>, vector<16xf32>,
        tpu.vector_store %arg12[%swap3A_618, %swap3A_619], %gather3A_597 {strides = array<i32>} : memref<16x1024xf32, #tpu.memory_space<vmem>>, vector<16xf32>,
        %add3A_621 = arith.constant 64 : i32
        %add3A_622 = arith.addi %mul3A_594, %add3A_621 : i32
        %swap3A_623 = arith.index_cast %add3A_591 : i32 to index
        %swap3A_624 = arith.index_cast %add3A_622 : i32 to index
        %swap3A_625 = tpu.vector_load %arg12[%swap3A_623, %swap3A_624] {strides = array<i32>} : memref<16x1024xf32, #tpu.memory_space<vmem>>, vector<16xf32>,
        tpu.vector_store %arg12[%swap3A_623, %swap3A_624], %gather3A_598 {strides = array<i32>} : memref<16x1024xf32, #tpu.memory_space<vmem>>, vector<16xf32>,
        %add3A_626 = arith.constant 80 : i32
        %add3A_627 = arith.addi %mul3A_594, %add3A_626 : i32
        %swap3A_628 = arith.index_cast %add3A_591 : i32 to index
        %swap3A_629 = arith.index_cast %add3A_627 : i32 to index
        %swap3A_630 = tpu.vector_load %arg12[%swap3A_628, %swap3A_629] {strides = array<i32>} : memref<16x1024xf32, #tpu.memory_space<vmem>>, vector<16xf32>,
        tpu.vector_store %arg12[%swap3A_628, %swap3A_629], %gather3A_599 {strides = array<i32>} : memref<16x1024xf32, #tpu.memory_space<vmem>>, vector<16xf32>,
        %add3A_631 = arith.constant 96 : i32
        %add3A_632 = arith.addi %mul3A_594, %add3A_631 : i32
        %swap3A_633 = arith.index_cast %add3A_591 : i32 to index
        %swap3A_634 = arith.index_cast %add3A_632 : i32 to index
        %swap3A_635 = tpu.vector_load %arg12[%swap3A_633, %swap3A_634] {strides = array<i32>} : memref<16x1024xf32, #tpu.memory_space<vmem>>, vector<16xf32>,
        tpu.vector_store %arg12[%swap3A_633, %swap3A_634], %gather3A_600 {strides = array<i32>} : memref<16x1024xf32, #tpu.memory_space<vmem>>, vector<16xf32>,
        %add3A_636 = arith.constant 112 : i32
        %add3A_637 = arith.addi %mul3A_594, %add3A_636 : i32
        %swap3A_638 = arith.index_cast %add3A_591 : i32 to index
        %swap3A_639 = arith.index_cast %add3A_637 : i32 to index
        %swap3A_640 = tpu.vector_load %arg12[%swap3A_638, %swap3A_639] {strides = array<i32>} : memref<16x1024xf32, #tpu.memory_space<vmem>>, vector<16xf32>,
        tpu.vector_store %arg12[%swap3A_638, %swap3A_639], %gather3A_601 {strides = array<i32>} : memref<16x1024xf32, #tpu.memory_space<vmem>>, vector<16xf32>,
      }
      %scan3A_433 = arith.constant 32 : i32
      %add3A_434 = arith.constant 128 : i32
      %add3A_435 = vector.broadcast %add3A_434 : i32 to vector<16xi32>
      %add3A_436 = arith.addi %iota3A, %add3A_435 : vector<16xi32>
      %add3A_437 = arith.constant 144 : i32
      %add3A_438 = vector.broadcast %add3A_437 : i32 to vector<16xi32>
      %add3A_439 = arith.addi %iota3A, %add3A_438 : vector<16xi32>
      %add3A_440 = arith.constant 160 : i32
      %add3A_441 = vector.broadcast %add3A_440 : i32 to vector<16xi32>
      %add3A_442 = arith.addi %iota3A, %add3A_441 : vector<16xi32>
      %add3A_443 = arith.constant 176 : i32
      %add3A_444 = vector.broadcast %add3A_443 : i32 to vector<16xi32>
      %add3A_445 = arith.addi %iota3A, %add3A_444 : vector<16xi32>
      %add3A_446 = arith.constant 192 : i32
      %add3A_447 = vector.broadcast %add3A_446 : i32 to vector<16xi32>
      %add3A_448 = arith.addi %iota3A, %add3A_447 : vector<16xi32>
      %add3A_449 = arith.constant 208 : i32
      %add3A_450 = vector.broadcast %add3A_449 : i32 to vector<16xi32>
      %add3A_451 = arith.addi %iota3A, %add3A_450 : vector<16xi32>
      %add3A_452 = arith.constant 224 : i32
      %add3A_453 = vector.broadcast %add3A_452 : i32 to vector<16xi32>
      %add3A_454 = arith.addi %iota3A, %add3A_453 : vector<16xi32>
      %add3A_455 = arith.constant 240 : i32
      %add3A_456 = vector.broadcast %add3A_455 : i32 to vector<16xi32>
      %add3A_457 = arith.addi %iota3A, %add3A_456 : vector<16xi32>
      %scan3A_458 = arith.constant 0 : i32
      %scan3A_459 = arith.constant 0 : i32
      %scan3A_460 = arith.constant 32 : i32
      %scan3A_461 = arith.addi %scan3A_459, %scan3A_460 : i32
      %scan3A_462 = arith.constant 1 : i32
      scf.for %scan3A_588 = %scan3A_459 to %scan3A_461 step %scan3A_462  : i32 {
        %broadcast_in_dim3A = vector.broadcast %scan3A_588 : i32 to vector<16xi32>
        %shift_right_arithmetic3A = arith.constant 3 : i32
        %shift_right_arithmetic3A_589 = arith.shrsi %scan3A_588, %shift_right_arithmetic3A : i32
        %add3A_590 = arith.constant 4 : i32
        %add3A_591 = arith.addi %add3A_590, %shift_right_arithmetic3A_589 : i32
        %and3A = arith.constant 7 : i32
        %and3A_592 = arith.andi %scan3A_588, %and3A : i32
        %mul3A_593 = arith.constant 128 : i32
        %mul3A_594 = arith.muli %and3A_592, %mul3A_593 : i32
        %gather3A = tpu.vector_load_idx %arg10[%add3A_436, %broadcast_in_dim3A] : memref<512x33xf32, #tpu.memory_space<vmem>>[vector<16xi32>, vector<16xi32>], vector<16xf32>,
        %gather3A_595 = tpu.vector_load_idx %arg10[%add3A_439, %broadcast_in_dim3A] : memref<512x33xf32, #tpu.memory_space<vmem>>[vector<16xi32>, vector<16xi32>], vector<16xf32>,
        %gather3A_596 = tpu.vector_load_idx %arg10[%add3A_442, %broadcast_in_dim3A] : memref<512x33xf32, #tpu.memory_space<vmem>>[vector<16xi32>, vector<16xi32>], vector<16xf32>,
        %gather3A_597 = tpu.vector_load_idx %arg10[%add3A_445, %broadcast_in_dim3A] : memref<512x33xf32, #tpu.memory_space<vmem>>[vector<16xi32>, vector<16xi32>], vector<16xf32>,
        %gather3A_598 = tpu.vector_load_idx %arg10[%add3A_448, %broadcast_in_dim3A] : memref<512x33xf32, #tpu.memory_space<vmem>>[vector<16xi32>, vector<16xi32>], vector<16xf32>,
        %gather3A_599 = tpu.vector_load_idx %arg10[%add3A_451, %broadcast_in_dim3A] : memref<512x33xf32, #tpu.memory_space<vmem>>[vector<16xi32>, vector<16xi32>], vector<16xf32>,
        %gather3A_600 = tpu.vector_load_idx %arg10[%add3A_454, %broadcast_in_dim3A] : memref<512x33xf32, #tpu.memory_space<vmem>>[vector<16xi32>, vector<16xi32>], vector<16xf32>,
        %gather3A_601 = tpu.vector_load_idx %arg10[%add3A_457, %broadcast_in_dim3A] : memref<512x33xf32, #tpu.memory_space<vmem>>[vector<16xi32>, vector<16xi32>], vector<16xf32>,
        %add3A_602 = arith.constant 0 : i32
        %add3A_603 = arith.addi %mul3A_594, %add3A_602 : i32
        %swap3A = arith.index_cast %add3A_591 : i32 to index
        %swap3A_604 = arith.index_cast %add3A_603 : i32 to index
        %swap3A_605 = tpu.vector_load %arg12[%swap3A, %swap3A_604] {strides = array<i32>} : memref<16x1024xf32, #tpu.memory_space<vmem>>, vector<16xf32>,
        tpu.vector_store %arg12[%swap3A, %swap3A_604], %gather3A {strides = array<i32>} : memref<16x1024xf32, #tpu.memory_space<vmem>>, vector<16xf32>,
        %add3A_606 = arith.constant 16 : i32
        %add3A_607 = arith.addi %mul3A_594, %add3A_606 : i32
        %swap3A_608 = arith.index_cast %add3A_591 : i32 to index
        %swap3A_609 = arith.index_cast %add3A_607 : i32 to index
        %swap3A_610 = tpu.vector_load %arg12[%swap3A_608, %swap3A_609] {strides = array<i32>} : memref<16x1024xf32, #tpu.memory_space<vmem>>, vector<16xf32>,
        tpu.vector_store %arg12[%swap3A_608, %swap3A_609], %gather3A_595 {strides = array<i32>} : memref<16x1024xf32, #tpu.memory_space<vmem>>, vector<16xf32>,
        %add3A_611 = arith.constant 32 : i32
        %add3A_612 = arith.addi %mul3A_594, %add3A_611 : i32
        %swap3A_613 = arith.index_cast %add3A_591 : i32 to index
        %swap3A_614 = arith.index_cast %add3A_612 : i32 to index
        %swap3A_615 = tpu.vector_load %arg12[%swap3A_613, %swap3A_614] {strides = array<i32>} : memref<16x1024xf32, #tpu.memory_space<vmem>>, vector<16xf32>,
        tpu.vector_store %arg12[%swap3A_613, %swap3A_614], %gather3A_596 {strides = array<i32>} : memref<16x1024xf32, #tpu.memory_space<vmem>>, vector<16xf32>,
        %add3A_616 = arith.constant 48 : i32
        %add3A_617 = arith.addi %mul3A_594, %add3A_616 : i32
        %swap3A_618 = arith.index_cast %add3A_591 : i32 to index
        %swap3A_619 = arith.index_cast %add3A_617 : i32 to index
        %swap3A_620 = tpu.vector_load %arg12[%swap3A_618, %swap3A_619] {strides = array<i32>} : memref<16x1024xf32, #tpu.memory_space<vmem>>, vector<16xf32>,
        tpu.vector_store %arg12[%swap3A_618, %swap3A_619], %gather3A_597 {strides = array<i32>} : memref<16x1024xf32, #tpu.memory_space<vmem>>, vector<16xf32>,
        %add3A_621 = arith.constant 64 : i32
        %add3A_622 = arith.addi %mul3A_594, %add3A_621 : i32
        %swap3A_623 = arith.index_cast %add3A_591 : i32 to index
        %swap3A_624 = arith.index_cast %add3A_622 : i32 to index
        %swap3A_625 = tpu.vector_load %arg12[%swap3A_623, %swap3A_624] {strides = array<i32>} : memref<16x1024xf32, #tpu.memory_space<vmem>>, vector<16xf32>,
        tpu.vector_store %arg12[%swap3A_623, %swap3A_624], %gather3A_598 {strides = array<i32>} : memref<16x1024xf32, #tpu.memory_space<vmem>>, vector<16xf32>,
        %add3A_626 = arith.constant 80 : i32
        %add3A_627 = arith.addi %mul3A_594, %add3A_626 : i32
        %swap3A_628 = arith.index_cast %add3A_591 : i32 to index
        %swap3A_629 = arith.index_cast %add3A_627 : i32 to index
        %swap3A_630 = tpu.vector_load %arg12[%swap3A_628, %swap3A_629] {strides = array<i32>} : memref<16x1024xf32, #tpu.memory_space<vmem>>, vector<16xf32>,
        tpu.vector_store %arg12[%swap3A_628, %swap3A_629], %gather3A_599 {strides = array<i32>} : memref<16x1024xf32, #tpu.memory_space<vmem>>, vector<16xf32>,
        %add3A_631 = arith.constant 96 : i32
        %add3A_632 = arith.addi %mul3A_594, %add3A_631 : i32
        %swap3A_633 = arith.index_cast %add3A_591 : i32 to index
        %swap3A_634 = arith.index_cast %add3A_632 : i32 to index
        %swap3A_635 = tpu.vector_load %arg12[%swap3A_633, %swap3A_634] {strides = array<i32>} : memref<16x1024xf32, #tpu.memory_space<vmem>>, vector<16xf32>,
        tpu.vector_store %arg12[%swap3A_633, %swap3A_634], %gather3A_600 {strides = array<i32>} : memref<16x1024xf32, #tpu.memory_space<vmem>>, vector<16xf32>,
        %add3A_636 = arith.constant 112 : i32
        %add3A_637 = arith.addi %mul3A_594, %add3A_636 : i32
        %swap3A_638 = arith.index_cast %add3A_591 : i32 to index
        %swap3A_639 = arith.index_cast %add3A_637 : i32 to index
        %swap3A_640 = tpu.vector_load %arg12[%swap3A_638, %swap3A_639] {strides = array<i32>} : memref<16x1024xf32, #tpu.memory_space<vmem>>, vector<16xf32>,
        tpu.vector_store %arg12[%swap3A_638, %swap3A_639], %gather3A_601 {strides = array<i32>} : memref<16x1024xf32, #tpu.memory_space<vmem>>, vector<16xf32>,
      }
      %scan3A_463 = arith.constant 32 : i32
      %add3A_464 = arith.constant 256 : i32
      %add3A_465 = vector.broadcast %add3A_464 : i32 to vector<16xi32>
      %add3A_466 = arith.addi %iota3A, %add3A_465 : vector<16xi32>
      %add3A_467 = arith.constant 272 : i32
      %add3A_468 = vector.broadcast %add3A_467 : i32 to vector<16xi32>
      %add3A_469 = arith.addi %iota3A, %add3A_468 : vector<16xi32>
      %add3A_470 = arith.constant 288 : i32
      %add3A_471 = vector.broadcast %add3A_470 : i32 to vector<16xi32>
      %add3A_472 = arith.addi %iota3A, %add3A_471 : vector<16xi32>
      %add3A_473 = arith.constant 304 : i32
      %add3A_474 = vector.broadcast %add3A_473 : i32 to vector<16xi32>
      %add3A_475 = arith.addi %iota3A, %add3A_474 : vector<16xi32>
      %add3A_476 = arith.constant 320 : i32
      %add3A_477 = vector.broadcast %add3A_476 : i32 to vector<16xi32>
      %add3A_478 = arith.addi %iota3A, %add3A_477 : vector<16xi32>
      %add3A_479 = arith.constant 336 : i32
      %add3A_480 = vector.broadcast %add3A_479 : i32 to vector<16xi32>
      %add3A_481 = arith.addi %iota3A, %add3A_480 : vector<16xi32>
      %add3A_482 = arith.constant 352 : i32
      %add3A_483 = vector.broadcast %add3A_482 : i32 to vector<16xi32>
      %add3A_484 = arith.addi %iota3A, %add3A_483 : vector<16xi32>
      %add3A_485 = arith.constant 368 : i32
      %add3A_486 = vector.broadcast %add3A_485 : i32 to vector<16xi32>
      %add3A_487 = arith.addi %iota3A, %add3A_486 : vector<16xi32>
      %scan3A_488 = arith.constant 0 : i32
      %scan3A_489 = arith.constant 0 : i32
      %scan3A_490 = arith.constant 32 : i32
      %scan3A_491 = arith.addi %scan3A_489, %scan3A_490 : i32
      %scan3A_492 = arith.constant 1 : i32
      scf.for %scan3A_588 = %scan3A_489 to %scan3A_491 step %scan3A_492  : i32 {
        %broadcast_in_dim3A = vector.broadcast %scan3A_588 : i32 to vector<16xi32>
        %shift_right_arithmetic3A = arith.constant 3 : i32
        %shift_right_arithmetic3A_589 = arith.shrsi %scan3A_588, %shift_right_arithmetic3A : i32
        %add3A_590 = arith.constant 8 : i32
        %add3A_591 = arith.addi %add3A_590, %shift_right_arithmetic3A_589 : i32
        %and3A = arith.constant 7 : i32
        %and3A_592 = arith.andi %scan3A_588, %and3A : i32
        %mul3A_593 = arith.constant 128 : i32
        %mul3A_594 = arith.muli %and3A_592, %mul3A_593 : i32
        %gather3A = tpu.vector_load_idx %arg10[%add3A_466, %broadcast_in_dim3A] : memref<512x33xf32, #tpu.memory_space<vmem>>[vector<16xi32>, vector<16xi32>], vector<16xf32>,
        %gather3A_595 = tpu.vector_load_idx %arg10[%add3A_469, %broadcast_in_dim3A] : memref<512x33xf32, #tpu.memory_space<vmem>>[vector<16xi32>, vector<16xi32>], vector<16xf32>,
        %gather3A_596 = tpu.vector_load_idx %arg10[%add3A_472, %broadcast_in_dim3A] : memref<512x33xf32, #tpu.memory_space<vmem>>[vector<16xi32>, vector<16xi32>], vector<16xf32>,
        %gather3A_597 = tpu.vector_load_idx %arg10[%add3A_475, %broadcast_in_dim3A] : memref<512x33xf32, #tpu.memory_space<vmem>>[vector<16xi32>, vector<16xi32>], vector<16xf32>,
        %gather3A_598 = tpu.vector_load_idx %arg10[%add3A_478, %broadcast_in_dim3A] : memref<512x33xf32, #tpu.memory_space<vmem>>[vector<16xi32>, vector<16xi32>], vector<16xf32>,
        %gather3A_599 = tpu.vector_load_idx %arg10[%add3A_481, %broadcast_in_dim3A] : memref<512x33xf32, #tpu.memory_space<vmem>>[vector<16xi32>, vector<16xi32>], vector<16xf32>,
        %gather3A_600 = tpu.vector_load_idx %arg10[%add3A_484, %broadcast_in_dim3A] : memref<512x33xf32, #tpu.memory_space<vmem>>[vector<16xi32>, vector<16xi32>], vector<16xf32>,
        %gather3A_601 = tpu.vector_load_idx %arg10[%add3A_487, %broadcast_in_dim3A] : memref<512x33xf32, #tpu.memory_space<vmem>>[vector<16xi32>, vector<16xi32>], vector<16xf32>,
        %add3A_602 = arith.constant 0 : i32
        %add3A_603 = arith.addi %mul3A_594, %add3A_602 : i32
        %swap3A = arith.index_cast %add3A_591 : i32 to index
        %swap3A_604 = arith.index_cast %add3A_603 : i32 to index
        %swap3A_605 = tpu.vector_load %arg12[%swap3A, %swap3A_604] {strides = array<i32>} : memref<16x1024xf32, #tpu.memory_space<vmem>>, vector<16xf32>,
        tpu.vector_store %arg12[%swap3A, %swap3A_604], %gather3A {strides = array<i32>} : memref<16x1024xf32, #tpu.memory_space<vmem>>, vector<16xf32>,
        %add3A_606 = arith.constant 16 : i32
        %add3A_607 = arith.addi %mul3A_594, %add3A_606 : i32
        %swap3A_608 = arith.index_cast %add3A_591 : i32 to index
        %swap3A_609 = arith.index_cast %add3A_607 : i32 to index
        %swap3A_610 = tpu.vector_load %arg12[%swap3A_608, %swap3A_609] {strides = array<i32>} : memref<16x1024xf32, #tpu.memory_space<vmem>>, vector<16xf32>,
        tpu.vector_store %arg12[%swap3A_608, %swap3A_609], %gather3A_595 {strides = array<i32>} : memref<16x1024xf32, #tpu.memory_space<vmem>>, vector<16xf32>,
        %add3A_611 = arith.constant 32 : i32
        %add3A_612 = arith.addi %mul3A_594, %add3A_611 : i32
        %swap3A_613 = arith.index_cast %add3A_591 : i32 to index
        %swap3A_614 = arith.index_cast %add3A_612 : i32 to index
        %swap3A_615 = tpu.vector_load %arg12[%swap3A_613, %swap3A_614] {strides = array<i32>} : memref<16x1024xf32, #tpu.memory_space<vmem>>, vector<16xf32>,
        tpu.vector_store %arg12[%swap3A_613, %swap3A_614], %gather3A_596 {strides = array<i32>} : memref<16x1024xf32, #tpu.memory_space<vmem>>, vector<16xf32>,
        %add3A_616 = arith.constant 48 : i32
        %add3A_617 = arith.addi %mul3A_594, %add3A_616 : i32
        %swap3A_618 = arith.index_cast %add3A_591 : i32 to index
        %swap3A_619 = arith.index_cast %add3A_617 : i32 to index
        %swap3A_620 = tpu.vector_load %arg12[%swap3A_618, %swap3A_619] {strides = array<i32>} : memref<16x1024xf32, #tpu.memory_space<vmem>>, vector<16xf32>,
        tpu.vector_store %arg12[%swap3A_618, %swap3A_619], %gather3A_597 {strides = array<i32>} : memref<16x1024xf32, #tpu.memory_space<vmem>>, vector<16xf32>,
        %add3A_621 = arith.constant 64 : i32
        %add3A_622 = arith.addi %mul3A_594, %add3A_621 : i32
        %swap3A_623 = arith.index_cast %add3A_591 : i32 to index
        %swap3A_624 = arith.index_cast %add3A_622 : i32 to index
        %swap3A_625 = tpu.vector_load %arg12[%swap3A_623, %swap3A_624] {strides = array<i32>} : memref<16x1024xf32, #tpu.memory_space<vmem>>, vector<16xf32>,
        tpu.vector_store %arg12[%swap3A_623, %swap3A_624], %gather3A_598 {strides = array<i32>} : memref<16x1024xf32, #tpu.memory_space<vmem>>, vector<16xf32>,
        %add3A_626 = arith.constant 80 : i32
        %add3A_627 = arith.addi %mul3A_594, %add3A_626 : i32
        %swap3A_628 = arith.index_cast %add3A_591 : i32 to index
        %swap3A_629 = arith.index_cast %add3A_627 : i32 to index
        %swap3A_630 = tpu.vector_load %arg12[%swap3A_628, %swap3A_629] {strides = array<i32>} : memref<16x1024xf32, #tpu.memory_space<vmem>>, vector<16xf32>,
        tpu.vector_store %arg12[%swap3A_628, %swap3A_629], %gather3A_599 {strides = array<i32>} : memref<16x1024xf32, #tpu.memory_space<vmem>>, vector<16xf32>,
        %add3A_631 = arith.constant 96 : i32
        %add3A_632 = arith.addi %mul3A_594, %add3A_631 : i32
        %swap3A_633 = arith.index_cast %add3A_591 : i32 to index
        %swap3A_634 = arith.index_cast %add3A_632 : i32 to index
        %swap3A_635 = tpu.vector_load %arg12[%swap3A_633, %swap3A_634] {strides = array<i32>} : memref<16x1024xf32, #tpu.memory_space<vmem>>, vector<16xf32>,
        tpu.vector_store %arg12[%swap3A_633, %swap3A_634], %gather3A_600 {strides = array<i32>} : memref<16x1024xf32, #tpu.memory_space<vmem>>, vector<16xf32>,
        %add3A_636 = arith.constant 112 : i32
        %add3A_637 = arith.addi %mul3A_594, %add3A_636 : i32
        %swap3A_638 = arith.index_cast %add3A_591 : i32 to index
        %swap3A_639 = arith.index_cast %add3A_637 : i32 to index
        %swap3A_640 = tpu.vector_load %arg12[%swap3A_638, %swap3A_639] {strides = array<i32>} : memref<16x1024xf32, #tpu.memory_space<vmem>>, vector<16xf32>,
        tpu.vector_store %arg12[%swap3A_638, %swap3A_639], %gather3A_601 {strides = array<i32>} : memref<16x1024xf32, #tpu.memory_space<vmem>>, vector<16xf32>,
      }
      %scan3A_493 = arith.constant 32 : i32
      %add3A_494 = arith.constant 384 : i32
      %add3A_495 = vector.broadcast %add3A_494 : i32 to vector<16xi32>
      %add3A_496 = arith.addi %iota3A, %add3A_495 : vector<16xi32>
      %add3A_497 = arith.constant 400 : i32
      %add3A_498 = vector.broadcast %add3A_497 : i32 to vector<16xi32>
      %add3A_499 = arith.addi %iota3A, %add3A_498 : vector<16xi32>
      %add3A_500 = arith.constant 416 : i32
      %add3A_501 = vector.broadcast %add3A_500 : i32 to vector<16xi32>
      %add3A_502 = arith.addi %iota3A, %add3A_501 : vector<16xi32>
      %add3A_503 = arith.constant 432 : i32
      %add3A_504 = vector.broadcast %add3A_503 : i32 to vector<16xi32>
      %add3A_505 = arith.addi %iota3A, %add3A_504 : vector<16xi32>
      %add3A_506 = arith.constant 448 : i32
      %add3A_507 = vector.broadcast %add3A_506 : i32 to vector<16xi32>
      %add3A_508 = arith.addi %iota3A, %add3A_507 : vector<16xi32>
      %add3A_509 = arith.constant 464 : i32
      %add3A_510 = vector.broadcast %add3A_509 : i32 to vector<16xi32>
      %add3A_511 = arith.addi %iota3A, %add3A_510 : vector<16xi32>
      %add3A_512 = arith.constant 480 : i32
      %add3A_513 = vector.broadcast %add3A_512 : i32 to vector<16xi32>
      %add3A_514 = arith.addi %iota3A, %add3A_513 : vector<16xi32>
      %add3A_515 = arith.constant 496 : i32
      %add3A_516 = vector.broadcast %add3A_515 : i32 to vector<16xi32>
      %add3A_517 = arith.addi %iota3A, %add3A_516 : vector<16xi32>
      %scan3A_518 = arith.constant 0 : i32
      %scan3A_519 = arith.constant 0 : i32
      %scan3A_520 = arith.constant 32 : i32
      %scan3A_521 = arith.addi %scan3A_519, %scan3A_520 : i32
      %scan3A_522 = arith.constant 1 : i32
      scf.for %scan3A_588 = %scan3A_519 to %scan3A_521 step %scan3A_522  : i32 {
        %broadcast_in_dim3A = vector.broadcast %scan3A_588 : i32 to vector<16xi32>
        %shift_right_arithmetic3A = arith.constant 3 : i32
        %shift_right_arithmetic3A_589 = arith.shrsi %scan3A_588, %shift_right_arithmetic3A : i32
        %add3A_590 = arith.constant 12 : i32
        %add3A_591 = arith.addi %add3A_590, %shift_right_arithmetic3A_589 : i32
        %and3A = arith.constant 7 : i32
        %and3A_592 = arith.andi %scan3A_588, %and3A : i32
        %mul3A_593 = arith.constant 128 : i32
        %mul3A_594 = arith.muli %and3A_592, %mul3A_593 : i32
        %gather3A = tpu.vector_load_idx %arg10[%add3A_496, %broadcast_in_dim3A] : memref<512x33xf32, #tpu.memory_space<vmem>>[vector<16xi32>, vector<16xi32>], vector<16xf32>,
        %gather3A_595 = tpu.vector_load_idx %arg10[%add3A_499, %broadcast_in_dim3A] : memref<512x33xf32, #tpu.memory_space<vmem>>[vector<16xi32>, vector<16xi32>], vector<16xf32>,
        %gather3A_596 = tpu.vector_load_idx %arg10[%add3A_502, %broadcast_in_dim3A] : memref<512x33xf32, #tpu.memory_space<vmem>>[vector<16xi32>, vector<16xi32>], vector<16xf32>,
        %gather3A_597 = tpu.vector_load_idx %arg10[%add3A_505, %broadcast_in_dim3A] : memref<512x33xf32, #tpu.memory_space<vmem>>[vector<16xi32>, vector<16xi32>], vector<16xf32>,
        %gather3A_598 = tpu.vector_load_idx %arg10[%add3A_508, %broadcast_in_dim3A] : memref<512x33xf32, #tpu.memory_space<vmem>>[vector<16xi32>, vector<16xi32>], vector<16xf32>,
        %gather3A_599 = tpu.vector_load_idx %arg10[%add3A_511, %broadcast_in_dim3A] : memref<512x33xf32, #tpu.memory_space<vmem>>[vector<16xi32>, vector<16xi32>], vector<16xf32>,
        %gather3A_600 = tpu.vector_load_idx %arg10[%add3A_514, %broadcast_in_dim3A] : memref<512x33xf32, #tpu.memory_space<vmem>>[vector<16xi32>, vector<16xi32>], vector<16xf32>,
        %gather3A_601 = tpu.vector_load_idx %arg10[%add3A_517, %broadcast_in_dim3A] : memref<512x33xf32, #tpu.memory_space<vmem>>[vector<16xi32>, vector<16xi32>], vector<16xf32>,
        %add3A_602 = arith.constant 0 : i32
        %add3A_603 = arith.addi %mul3A_594, %add3A_602 : i32
        %swap3A = arith.index_cast %add3A_591 : i32 to index
        %swap3A_604 = arith.index_cast %add3A_603 : i32 to index
        %swap3A_605 = tpu.vector_load %arg12[%swap3A, %swap3A_604] {strides = array<i32>} : memref<16x1024xf32, #tpu.memory_space<vmem>>, vector<16xf32>,
        tpu.vector_store %arg12[%swap3A, %swap3A_604], %gather3A {strides = array<i32>} : memref<16x1024xf32, #tpu.memory_space<vmem>>, vector<16xf32>,
        %add3A_606 = arith.constant 16 : i32
        %add3A_607 = arith.addi %mul3A_594, %add3A_606 : i32
        %swap3A_608 = arith.index_cast %add3A_591 : i32 to index
        %swap3A_609 = arith.index_cast %add3A_607 : i32 to index
        %swap3A_610 = tpu.vector_load %arg12[%swap3A_608, %swap3A_609] {strides = array<i32>} : memref<16x1024xf32, #tpu.memory_space<vmem>>, vector<16xf32>,
        tpu.vector_store %arg12[%swap3A_608, %swap3A_609], %gather3A_595 {strides = array<i32>} : memref<16x1024xf32, #tpu.memory_space<vmem>>, vector<16xf32>,
        %add3A_611 = arith.constant 32 : i32
        %add3A_612 = arith.addi %mul3A_594, %add3A_611 : i32
        %swap3A_613 = arith.index_cast %add3A_591 : i32 to index
        %swap3A_614 = arith.index_cast %add3A_612 : i32 to index
        %swap3A_615 = tpu.vector_load %arg12[%swap3A_613, %swap3A_614] {strides = array<i32>} : memref<16x1024xf32, #tpu.memory_space<vmem>>, vector<16xf32>,
        tpu.vector_store %arg12[%swap3A_613, %swap3A_614], %gather3A_596 {strides = array<i32>} : memref<16x1024xf32, #tpu.memory_space<vmem>>, vector<16xf32>,
        %add3A_616 = arith.constant 48 : i32
        %add3A_617 = arith.addi %mul3A_594, %add3A_616 : i32
        %swap3A_618 = arith.index_cast %add3A_591 : i32 to index
        %swap3A_619 = arith.index_cast %add3A_617 : i32 to index
        %swap3A_620 = tpu.vector_load %arg12[%swap3A_618, %swap3A_619] {strides = array<i32>} : memref<16x1024xf32, #tpu.memory_space<vmem>>, vector<16xf32>,
        tpu.vector_store %arg12[%swap3A_618, %swap3A_619], %gather3A_597 {strides = array<i32>} : memref<16x1024xf32, #tpu.memory_space<vmem>>, vector<16xf32>,
        %add3A_621 = arith.constant 64 : i32
        %add3A_622 = arith.addi %mul3A_594, %add3A_621 : i32
        %swap3A_623 = arith.index_cast %add3A_591 : i32 to index
        %swap3A_624 = arith.index_cast %add3A_622 : i32 to index
        %swap3A_625 = tpu.vector_load %arg12[%swap3A_623, %swap3A_624] {strides = array<i32>} : memref<16x1024xf32, #tpu.memory_space<vmem>>, vector<16xf32>,
        tpu.vector_store %arg12[%swap3A_623, %swap3A_624], %gather3A_598 {strides = array<i32>} : memref<16x1024xf32, #tpu.memory_space<vmem>>, vector<16xf32>,
        %add3A_626 = arith.constant 80 : i32
        %add3A_627 = arith.addi %mul3A_594, %add3A_626 : i32
        %swap3A_628 = arith.index_cast %add3A_591 : i32 to index
        %swap3A_629 = arith.index_cast %add3A_627 : i32 to index
        %swap3A_630 = tpu.vector_load %arg12[%swap3A_628, %swap3A_629] {strides = array<i32>} : memref<16x1024xf32, #tpu.memory_space<vmem>>, vector<16xf32>,
        tpu.vector_store %arg12[%swap3A_628, %swap3A_629], %gather3A_599 {strides = array<i32>} : memref<16x1024xf32, #tpu.memory_space<vmem>>, vector<16xf32>,
        %add3A_631 = arith.constant 96 : i32
        %add3A_632 = arith.addi %mul3A_594, %add3A_631 : i32
        %swap3A_633 = arith.index_cast %add3A_591 : i32 to index
        %swap3A_634 = arith.index_cast %add3A_632 : i32 to index
        %swap3A_635 = tpu.vector_load %arg12[%swap3A_633, %swap3A_634] {strides = array<i32>} : memref<16x1024xf32, #tpu.memory_space<vmem>>, vector<16xf32>,
        tpu.vector_store %arg12[%swap3A_633, %swap3A_634], %gather3A_600 {strides = array<i32>} : memref<16x1024xf32, #tpu.memory_space<vmem>>, vector<16xf32>,
        %add3A_636 = arith.constant 112 : i32
        %add3A_637 = arith.addi %mul3A_594, %add3A_636 : i32
        %swap3A_638 = arith.index_cast %add3A_591 : i32 to index
        %swap3A_639 = arith.index_cast %add3A_637 : i32 to index
        %swap3A_640 = tpu.vector_load %arg12[%swap3A_638, %swap3A_639] {strides = array<i32>} : memref<16x1024xf32, #tpu.memory_space<vmem>>, vector<16xf32>,
        tpu.vector_store %arg12[%swap3A_638, %swap3A_639], %gather3A_601 {strides = array<i32>} : memref<16x1024xf32, #tpu.memory_space<vmem>>, vector<16xf32>,
      }
      %scan3A_523 = arith.constant 32 : i32
      %add3A_524 = arith.constant 0 : i32
      %add3A_525 = arith.addi %mul3A_4, %add3A_524 : i32
      %dma_start3A_526 = arith.constant 0 : i32
      %dma_start3A_527 = arith.constant 0 : i32
      %dma_start3A_528 = tpu.memref_slice %arg12[%dma_start3A_526, %dma_start3A_527] : memref<16x1024xf32, #tpu.memory_space<vmem>> -> memref<4x1024xf32, #tpu.memory_space<vmem>>
      %dma_start3A_529 = arith.constant 0 : i32
      %dma_start3A_530 = arith.constant 0 : i32
      %dma_start3A_531 = tpu.memref_slice %arg4[%add3A_166, %dma_start3A_529, %add3A_525, %dma_start3A_530] : memref<200x4x128x1024xf32, #tpu.memory_space<hbm>> -> memref<1x4x1x1024xf32, #tpu.memory_space<hbm>>
      %dma_start3A_532 = tpu.memref_squeeze %dma_start3A_531 : memref<1x4x1x1024xf32, #tpu.memory_space<hbm>> -> memref<4x1024xf32, #tpu.memory_space<hbm>>
      %dma_start3A_533 = arith.constant 0 : i32
      %dma_start3A_534 = arith.constant 0 : i32
      %dma_start3A_535 = tpu.memref_slice %arg4[%add3A_166, %dma_start3A_533, %add3A_525, %dma_start3A_534] : memref<200x4x128x1024xf32, #tpu.memory_space<hbm>> -> memref<1x4x1x1024xf32, #tpu.memory_space<hbm>>
      %dma_start3A_536 = tpu.memref_squeeze %dma_start3A_535 : memref<1x4x1x1024xf32, #tpu.memory_space<hbm>> -> memref<4x1024xf32, #tpu.memory_space<hbm>>
      %dma_start3A_537 = arith.constant 0 : i32
      %dma_start3A_538 = arith.constant 0 : i32
      %dma_start3A_539 = tpu.memref_slice %arg12[%dma_start3A_537, %dma_start3A_538] : memref<16x1024xf32, #tpu.memory_space<vmem>> -> memref<4x1024xf32, #tpu.memory_space<vmem>>
      tpu.enqueue_dma source(%dma_start3A_539 : memref<4x1024xf32, #tpu.memory_space<vmem>>) target(%dma_start3A_536 : memref<4x1024xf32, #tpu.memory_space<hbm>>) target_semaphore(%arg18 : memref<!tpu.dma_semaphore, #tpu.memory_space<semaphore_mem>>)
      %add3A_540 = arith.constant 1 : i32
      %add3A_541 = arith.addi %mul3A_4, %add3A_540 : i32
      %dma_start3A_542 = arith.constant 4 : i32
      %dma_start3A_543 = arith.constant 0 : i32
      %dma_start3A_544 = tpu.memref_slice %arg12[%dma_start3A_542, %dma_start3A_543] : memref<16x1024xf32, #tpu.memory_space<vmem>> -> memref<4x1024xf32, #tpu.memory_space<vmem>>
      %dma_start3A_545 = arith.constant 0 : i32
      %dma_start3A_546 = arith.constant 0 : i32
      %dma_start3A_547 = tpu.memref_slice %arg4[%add3A_166, %dma_start3A_545, %add3A_541, %dma_start3A_546] : memref<200x4x128x1024xf32, #tpu.memory_space<hbm>> -> memref<1x4x1x1024xf32, #tpu.memory_space<hbm>>
      %dma_start3A_548 = tpu.memref_squeeze %dma_start3A_547 : memref<1x4x1x1024xf32, #tpu.memory_space<hbm>> -> memref<4x1024xf32, #tpu.memory_space<hbm>>
      %dma_start3A_549 = arith.constant 0 : i32
      %dma_start3A_550 = arith.constant 0 : i32
      %dma_start3A_551 = tpu.memref_slice %arg4[%add3A_166, %dma_start3A_549, %add3A_541, %dma_start3A_550] : memref<200x4x128x1024xf32, #tpu.memory_space<hbm>> -> memref<1x4x1x1024xf32, #tpu.memory_space<hbm>>
      %dma_start3A_552 = tpu.memref_squeeze %dma_start3A_551 : memref<1x4x1x1024xf32, #tpu.memory_space<hbm>> -> memref<4x1024xf32, #tpu.memory_space<hbm>>
      %dma_start3A_553 = arith.constant 4 : i32
      %dma_start3A_554 = arith.constant 0 : i32
      %dma_start3A_555 = tpu.memref_slice %arg12[%dma_start3A_553, %dma_start3A_554] : memref<16x1024xf32, #tpu.memory_space<vmem>> -> memref<4x1024xf32, #tpu.memory_space<vmem>>
      tpu.enqueue_dma source(%dma_start3A_555 : memref<4x1024xf32, #tpu.memory_space<vmem>>) target(%dma_start3A_552 : memref<4x1024xf32, #tpu.memory_space<hbm>>) target_semaphore(%arg18 : memref<!tpu.dma_semaphore, #tpu.memory_space<semaphore_mem>>)
      %add3A_556 = arith.constant 2 : i32
      %add3A_557 = arith.addi %mul3A_4, %add3A_556 : i32
      %dma_start3A_558 = arith.constant 8 : i32
      %dma_start3A_559 = arith.constant 0 : i32
      %dma_start3A_560 = tpu.memref_slice %arg12[%dma_start3A_558, %dma_start3A_559] : memref<16x1024xf32, #tpu.memory_space<vmem>> -> memref<4x1024xf32, #tpu.memory_space<vmem>>
      %dma_start3A_561 = arith.constant 0 : i32
      %dma_start3A_562 = arith.constant 0 : i32
      %dma_start3A_563 = tpu.memref_slice %arg4[%add3A_166, %dma_start3A_561, %add3A_557, %dma_start3A_562] : memref<200x4x128x1024xf32, #tpu.memory_space<hbm>> -> memref<1x4x1x1024xf32, #tpu.memory_space<hbm>>
      %dma_start3A_564 = tpu.memref_squeeze %dma_start3A_563 : memref<1x4x1x1024xf32, #tpu.memory_space<hbm>> -> memref<4x1024xf32, #tpu.memory_space<hbm>>
      %dma_start3A_565 = arith.constant 0 : i32
      %dma_start3A_566 = arith.constant 0 : i32
      %dma_start3A_567 = tpu.memref_slice %arg4[%add3A_166, %dma_start3A_565, %add3A_557, %dma_start3A_566] : memref<200x4x128x1024xf32, #tpu.memory_space<hbm>> -> memref<1x4x1x1024xf32, #tpu.memory_space<hbm>>
      %dma_start3A_568 = tpu.memref_squeeze %dma_start3A_567 : memref<1x4x1x1024xf32, #tpu.memory_space<hbm>> -> memref<4x1024xf32, #tpu.memory_space<hbm>>
      %dma_start3A_569 = arith.constant 8 : i32
      %dma_start3A_570 = arith.constant 0 : i32
      %dma_start3A_571 = tpu.memref_slice %arg12[%dma_start3A_569, %dma_start3A_570] : memref<16x1024xf32, #tpu.memory_space<vmem>> -> memref<4x1024xf32, #tpu.memory_space<vmem>>
      tpu.enqueue_dma source(%dma_start3A_571 : memref<4x1024xf32, #tpu.memory_space<vmem>>) target(%dma_start3A_568 : memref<4x1024xf32, #tpu.memory_space<hbm>>) target_semaphore(%arg18 : memref<!tpu.dma_semaphore, #tpu.memory_space<semaphore_mem>>)
      %add3A_572 = arith.constant 3 : i32
      %add3A_573 = arith.addi %mul3A_4, %add3A_572 : i32
      %dma_start3A_574 = arith.constant 12 : i32
      %dma_start3A_575 = arith.constant 0 : i32
      %dma_start3A_576 = tpu.memref_slice %arg12[%dma_start3A_574, %dma_start3A_575] : memref<16x1024xf32, #tpu.memory_space<vmem>> -> memref<4x1024xf32, #tpu.memory_space<vmem>>
      %dma_start3A_577 = arith.constant 0 : i32
      %dma_start3A_578 = arith.constant 0 : i32
      %dma_start3A_579 = tpu.memref_slice %arg4[%add3A_166, %dma_start3A_577, %add3A_573, %dma_start3A_578] : memref<200x4x128x1024xf32, #tpu.memory_space<hbm>> -> memref<1x4x1x1024xf32, #tpu.memory_space<hbm>>
      %dma_start3A_580 = tpu.memref_squeeze %dma_start3A_579 : memref<1x4x1x1024xf32, #tpu.memory_space<hbm>> -> memref<4x1024xf32, #tpu.memory_space<hbm>>
      %dma_start3A_581 = arith.constant 0 : i32
      %dma_start3A_582 = arith.constant 0 : i32
      %dma_start3A_583 = tpu.memref_slice %arg4[%add3A_166, %dma_start3A_581, %add3A_573, %dma_start3A_582] : memref<200x4x128x1024xf32, #tpu.memory_space<hbm>> -> memref<1x4x1x1024xf32, #tpu.memory_space<hbm>>
      %dma_start3A_584 = tpu.memref_squeeze %dma_start3A_583 : memref<1x4x1x1024xf32, #tpu.memory_space<hbm>> -> memref<4x1024xf32, #tpu.memory_space<hbm>>
      %dma_start3A_585 = arith.constant 12 : i32
      %dma_start3A_586 = arith.constant 0 : i32
      %dma_start3A_587 = tpu.memref_slice %arg12[%dma_start3A_585, %dma_start3A_586] : memref<16x1024xf32, #tpu.memory_space<vmem>> -> memref<4x1024xf32, #tpu.memory_space<vmem>>
      tpu.enqueue_dma source(%dma_start3A_587 : memref<4x1024xf32, #tpu.memory_space<vmem>>) target(%dma_start3A_584 : memref<4x1024xf32, #tpu.memory_space<hbm>>) target_semaphore(%arg18 : memref<!tpu.dma_semaphore, #tpu.memory_space<semaphore_mem>>)
    }
    %scan3A_25 = arith.constant 100 : i32
    %add3A_26 = arith.constant 0 : i32
    %add3A_27 = arith.addi %mul3A_4, %add3A_26 : i32
    %dma_wait3A_28 = arith.constant 0 : i32
    %dma_wait3A_29 = arith.constant 0 : i32
    %dma_wait3A_30 = arith.constant 0 : i32
    %dma_wait3A_31 = tpu.memref_slice %arg11[%dma_wait3A_29, %dma_wait3A_30] : memref<16x1024xf32, #tpu.memory_space<vmem>> -> memref<4x1024xf32, #tpu.memory_space<vmem>>
    %dma_wait3A_32 = arith.constant 0 : i32
    %dma_wait3A_33 = arith.constant 0 : i32
    %dma_wait3A_34 = tpu.memref_slice %arg4[%dma_wait3A_28, %dma_wait3A_32, %add3A_27, %dma_wait3A_33] : memref<200x4x128x1024xf32, #tpu.memory_space<hbm>> -> memref<1x4x1x1024xf32, #tpu.memory_space<hbm>>
    %dma_wait3A_35 = tpu.memref_squeeze %dma_wait3A_34 : memref<1x4x1x1024xf32, #tpu.memory_space<hbm>> -> memref<4x1024xf32, #tpu.memory_space<hbm>>
    %dma_wait3A_36 = arith.constant 0 : i32
    %dma_wait3A_37 = arith.constant 0 : i32
    %dma_wait3A_38 = tpu.memref_slice %arg4[%dma_wait3A_28, %dma_wait3A_36, %add3A_27, %dma_wait3A_37] : memref<200x4x128x1024xf32, #tpu.memory_space<hbm>> -> memref<1x4x1x1024xf32, #tpu.memory_space<hbm>>
    %dma_wait3A_39 = tpu.memref_squeeze %dma_wait3A_38 : memref<1x4x1x1024xf32, #tpu.memory_space<hbm>> -> memref<4x1024xf32, #tpu.memory_space<hbm>>
    %dma_wait3A_40 = arith.constant 0 : i32
    %dma_wait3A_41 = arith.constant 0 : i32
    %dma_wait3A_42 = tpu.memref_slice %arg11[%dma_wait3A_40, %dma_wait3A_41] : memref<16x1024xf32, #tpu.memory_space<vmem>> -> memref<4x1024xf32, #tpu.memory_space<vmem>>
    tpu.wait_dma2 semaphore(%arg17 : memref<!tpu.dma_semaphore, #tpu.memory_space<semaphore_mem>>) src(%dma_wait3A_42 : memref<4x1024xf32, #tpu.memory_space<vmem>>) dst(%dma_wait3A_39 : memref<4x1024xf32, #tpu.memory_space<hbm>>)
    %add3A_43 = arith.constant 1 : i32
    %add3A_44 = arith.addi %mul3A_4, %add3A_43 : i32
    %dma_wait3A_45 = arith.constant 0 : i32
    %dma_wait3A_46 = arith.constant 4 : i32
    %dma_wait3A_47 = arith.constant 0 : i32
    %dma_wait3A_48 = tpu.memref_slice %arg11[%dma_wait3A_46, %dma_wait3A_47] : memref<16x1024xf32, #tpu.memory_space<vmem>> -> memref<4x1024xf32, #tpu.memory_space<vmem>>
    %dma_wait3A_49 = arith.constant 0 : i32
    %dma_wait3A_50 = arith.constant 0 : i32
    %dma_wait3A_51 = tpu.memref_slice %arg4[%dma_wait3A_45, %dma_wait3A_49, %add3A_44, %dma_wait3A_50] : memref<200x4x128x1024xf32, #tpu.memory_space<hbm>> -> memref<1x4x1x1024xf32, #tpu.memory_space<hbm>>
    %dma_wait3A_52 = tpu.memref_squeeze %dma_wait3A_51 : memref<1x4x1x1024xf32, #tpu.memory_space<hbm>> -> memref<4x1024xf32, #tpu.memory_space<hbm>>
    %dma_wait3A_53 = arith.constant 0 : i32
    %dma_wait3A_54 = arith.constant 0 : i32
    %dma_wait3A_55 = tpu.memref_slice %arg4[%dma_wait3A_45, %dma_wait3A_53, %add3A_44, %dma_wait3A_54] : memref<200x4x128x1024xf32, #tpu.memory_space<hbm>> -> memref<1x4x1x1024xf32, #tpu.memory_space<hbm>>
    %dma_wait3A_56 = tpu.memref_squeeze %dma_wait3A_55 : memref<1x4x1x1024xf32, #tpu.memory_space<hbm>> -> memref<4x1024xf32, #tpu.memory_space<hbm>>
    %dma_wait3A_57 = arith.constant 4 : i32
    %dma_wait3A_58 = arith.constant 0 : i32
    %dma_wait3A_59 = tpu.memref_slice %arg11[%dma_wait3A_57, %dma_wait3A_58] : memref<16x1024xf32, #tpu.memory_space<vmem>> -> memref<4x1024xf32, #tpu.memory_space<vmem>>
    tpu.wait_dma2 semaphore(%arg17 : memref<!tpu.dma_semaphore, #tpu.memory_space<semaphore_mem>>) src(%dma_wait3A_59 : memref<4x1024xf32, #tpu.memory_space<vmem>>) dst(%dma_wait3A_56 : memref<4x1024xf32, #tpu.memory_space<hbm>>)
    %add3A_60 = arith.constant 2 : i32
    %add3A_61 = arith.addi %mul3A_4, %add3A_60 : i32
    %dma_wait3A_62 = arith.constant 0 : i32
    %dma_wait3A_63 = arith.constant 8 : i32
    %dma_wait3A_64 = arith.constant 0 : i32
    %dma_wait3A_65 = tpu.memref_slice %arg11[%dma_wait3A_63, %dma_wait3A_64] : memref<16x1024xf32, #tpu.memory_space<vmem>> -> memref<4x1024xf32, #tpu.memory_space<vmem>>
    %dma_wait3A_66 = arith.constant 0 : i32
    %dma_wait3A_67 = arith.constant 0 : i32
    %dma_wait3A_68 = tpu.memref_slice %arg4[%dma_wait3A_62, %dma_wait3A_66, %add3A_61, %dma_wait3A_67] : memref<200x4x128x1024xf32, #tpu.memory_space<hbm>> -> memref<1x4x1x1024xf32, #tpu.memory_space<hbm>>
    %dma_wait3A_69 = tpu.memref_squeeze %dma_wait3A_68 : memref<1x4x1x1024xf32, #tpu.memory_space<hbm>> -> memref<4x1024xf32, #tpu.memory_space<hbm>>
    %dma_wait3A_70 = arith.constant 0 : i32
    %dma_wait3A_71 = arith.constant 0 : i32
    %dma_wait3A_72 = tpu.memref_slice %arg4[%dma_wait3A_62, %dma_wait3A_70, %add3A_61, %dma_wait3A_71] : memref<200x4x128x1024xf32, #tpu.memory_space<hbm>> -> memref<1x4x1x1024xf32, #tpu.memory_space<hbm>>
    %dma_wait3A_73 = tpu.memref_squeeze %dma_wait3A_72 : memref<1x4x1x1024xf32, #tpu.memory_space<hbm>> -> memref<4x1024xf32, #tpu.memory_space<hbm>>
    %dma_wait3A_74 = arith.constant 8 : i32
    %dma_wait3A_75 = arith.constant 0 : i32
    %dma_wait3A_76 = tpu.memref_slice %arg11[%dma_wait3A_74, %dma_wait3A_75] : memref<16x1024xf32, #tpu.memory_space<vmem>> -> memref<4x1024xf32, #tpu.memory_space<vmem>>
    tpu.wait_dma2 semaphore(%arg17 : memref<!tpu.dma_semaphore, #tpu.memory_space<semaphore_mem>>) src(%dma_wait3A_76 : memref<4x1024xf32, #tpu.memory_space<vmem>>) dst(%dma_wait3A_73 : memref<4x1024xf32, #tpu.memory_space<hbm>>)
    %add3A_77 = arith.constant 3 : i32
    %add3A_78 = arith.addi %mul3A_4, %add3A_77 : i32
    %dma_wait3A_79 = arith.constant 0 : i32
    %dma_wait3A_80 = arith.constant 12 : i32
    %dma_wait3A_81 = arith.constant 0 : i32
    %dma_wait3A_82 = tpu.memref_slice %arg11[%dma_wait3A_80, %dma_wait3A_81] : memref<16x1024xf32, #tpu.memory_space<vmem>> -> memref<4x1024xf32, #tpu.memory_space<vmem>>
    %dma_wait3A_83 = arith.constant 0 : i32
    %dma_wait3A_84 = arith.constant 0 : i32
    %dma_wait3A_85 = tpu.memref_slice %arg4[%dma_wait3A_79, %dma_wait3A_83, %add3A_78, %dma_wait3A_84] : memref<200x4x128x1024xf32, #tpu.memory_space<hbm>> -> memref<1x4x1x1024xf32, #tpu.memory_space<hbm>>
    %dma_wait3A_86 = tpu.memref_squeeze %dma_wait3A_85 : memref<1x4x1x1024xf32, #tpu.memory_space<hbm>> -> memref<4x1024xf32, #tpu.memory_space<hbm>>
    %dma_wait3A_87 = arith.constant 0 : i32
    %dma_wait3A_88 = arith.constant 0 : i32
    %dma_wait3A_89 = tpu.memref_slice %arg4[%dma_wait3A_79, %dma_wait3A_87, %add3A_78, %dma_wait3A_88] : memref<200x4x128x1024xf32, #tpu.memory_space<hbm>> -> memref<1x4x1x1024xf32, #tpu.memory_space<hbm>>
    %dma_wait3A_90 = tpu.memref_squeeze %dma_wait3A_89 : memref<1x4x1x1024xf32, #tpu.memory_space<hbm>> -> memref<4x1024xf32, #tpu.memory_space<hbm>>
    %dma_wait3A_91 = arith.constant 12 : i32
    %dma_wait3A_92 = arith.constant 0 : i32
    %dma_wait3A_93 = tpu.memref_slice %arg11[%dma_wait3A_91, %dma_wait3A_92] : memref<16x1024xf32, #tpu.memory_space<vmem>> -> memref<4x1024xf32, #tpu.memory_space<vmem>>
    tpu.wait_dma2 semaphore(%arg17 : memref<!tpu.dma_semaphore, #tpu.memory_space<semaphore_mem>>) src(%dma_wait3A_93 : memref<4x1024xf32, #tpu.memory_space<vmem>>) dst(%dma_wait3A_90 : memref<4x1024xf32, #tpu.memory_space<hbm>>)
    %add3A_94 = arith.constant 0 : i32
    %add3A_95 = arith.addi %mul3A_4, %add3A_94 : i32
    %dma_wait3A_96 = arith.constant 0 : i32
    %dma_wait3A_97 = arith.constant 0 : i32
    %dma_wait3A_98 = arith.constant 0 : i32
    %dma_wait3A_99 = tpu.memref_slice %arg12[%dma_wait3A_97, %dma_wait3A_98] : memref<16x1024xf32, #tpu.memory_space<vmem>> -> memref<4x1024xf32, #tpu.memory_space<vmem>>
    %dma_wait3A_100 = arith.constant 0 : i32
    %dma_wait3A_101 = arith.constant 0 : i32
    %dma_wait3A_102 = tpu.memref_slice %arg4[%dma_wait3A_96, %dma_wait3A_100, %add3A_95, %dma_wait3A_101] : memref<200x4x128x1024xf32, #tpu.memory_space<hbm>> -> memref<1x4x1x1024xf32, #tpu.memory_space<hbm>>
    %dma_wait3A_103 = tpu.memref_squeeze %dma_wait3A_102 : memref<1x4x1x1024xf32, #tpu.memory_space<hbm>> -> memref<4x1024xf32, #tpu.memory_space<hbm>>
    %dma_wait3A_104 = arith.constant 0 : i32
    %dma_wait3A_105 = arith.constant 0 : i32
    %dma_wait3A_106 = tpu.memref_slice %arg4[%dma_wait3A_96, %dma_wait3A_104, %add3A_95, %dma_wait3A_105] : memref<200x4x128x1024xf32, #tpu.memory_space<hbm>> -> memref<1x4x1x1024xf32, #tpu.memory_space<hbm>>
    %dma_wait3A_107 = tpu.memref_squeeze %dma_wait3A_106 : memref<1x4x1x1024xf32, #tpu.memory_space<hbm>> -> memref<4x1024xf32, #tpu.memory_space<hbm>>
    %dma_wait3A_108 = arith.constant 0 : i32
    %dma_wait3A_109 = arith.constant 0 : i32
    %dma_wait3A_110 = tpu.memref_slice %arg12[%dma_wait3A_108, %dma_wait3A_109] : memref<16x1024xf32, #tpu.memory_space<vmem>> -> memref<4x1024xf32, #tpu.memory_space<vmem>>
    tpu.wait_dma2 semaphore(%arg18 : memref<!tpu.dma_semaphore, #tpu.memory_space<semaphore_mem>>) src(%dma_wait3A_110 : memref<4x1024xf32, #tpu.memory_space<vmem>>) dst(%dma_wait3A_107 : memref<4x1024xf32, #tpu.memory_space<hbm>>)
    %add3A_111 = arith.constant 1 : i32
    %add3A_112 = arith.addi %mul3A_4, %add3A_111 : i32
    %dma_wait3A_113 = arith.constant 0 : i32
    %dma_wait3A_114 = arith.constant 4 : i32
    %dma_wait3A_115 = arith.constant 0 : i32
    %dma_wait3A_116 = tpu.memref_slice %arg12[%dma_wait3A_114, %dma_wait3A_115] : memref<16x1024xf32, #tpu.memory_space<vmem>> -> memref<4x1024xf32, #tpu.memory_space<vmem>>
    %dma_wait3A_117 = arith.constant 0 : i32
    %dma_wait3A_118 = arith.constant 0 : i32
    %dma_wait3A_119 = tpu.memref_slice %arg4[%dma_wait3A_113, %dma_wait3A_117, %add3A_112, %dma_wait3A_118] : memref<200x4x128x1024xf32, #tpu.memory_space<hbm>> -> memref<1x4x1x1024xf32, #tpu.memory_space<hbm>>
    %dma_wait3A_120 = tpu.memref_squeeze %dma_wait3A_119 : memref<1x4x1x1024xf32, #tpu.memory_space<hbm>> -> memref<4x1024xf32, #tpu.memory_space<hbm>>
    %dma_wait3A_121 = arith.constant 0 : i32
    %dma_wait3A_122 = arith.constant 0 : i32
    %dma_wait3A_123 = tpu.memref_slice %arg4[%dma_wait3A_113, %dma_wait3A_121, %add3A_112, %dma_wait3A_122] : memref<200x4x128x1024xf32, #tpu.memory_space<hbm>> -> memref<1x4x1x1024xf32, #tpu.memory_space<hbm>>
    %dma_wait3A_124 = tpu.memref_squeeze %dma_wait3A_123 : memref<1x4x1x1024xf32, #tpu.memory_space<hbm>> -> memref<4x1024xf32, #tpu.memory_space<hbm>>
    %dma_wait3A_125 = arith.constant 4 : i32
    %dma_wait3A_126 = arith.constant 0 : i32
    %dma_wait3A_127 = tpu.memref_slice %arg12[%dma_wait3A_125, %dma_wait3A_126] : memref<16x1024xf32, #tpu.memory_space<vmem>> -> memref<4x1024xf32, #tpu.memory_space<vmem>>
    tpu.wait_dma2 semaphore(%arg18 : memref<!tpu.dma_semaphore, #tpu.memory_space<semaphore_mem>>) src(%dma_wait3A_127 : memref<4x1024xf32, #tpu.memory_space<vmem>>) dst(%dma_wait3A_124 : memref<4x1024xf32, #tpu.memory_space<hbm>>)
    %add3A_128 = arith.constant 2 : i32
    %add3A_129 = arith.addi %mul3A_4, %add3A_128 : i32
    %dma_wait3A_130 = arith.constant 0 : i32
    %dma_wait3A_131 = arith.constant 8 : i32
    %dma_wait3A_132 = arith.constant 0 : i32
    %dma_wait3A_133 = tpu.memref_slice %arg12[%dma_wait3A_131, %dma_wait3A_132] : memref<16x1024xf32, #tpu.memory_space<vmem>> -> memref<4x1024xf32, #tpu.memory_space<vmem>>
    %dma_wait3A_134 = arith.constant 0 : i32
    %dma_wait3A_135 = arith.constant 0 : i32
    %dma_wait3A_136 = tpu.memref_slice %arg4[%dma_wait3A_130, %dma_wait3A_134, %add3A_129, %dma_wait3A_135] : memref<200x4x128x1024xf32, #tpu.memory_space<hbm>> -> memref<1x4x1x1024xf32, #tpu.memory_space<hbm>>
    %dma_wait3A_137 = tpu.memref_squeeze %dma_wait3A_136 : memref<1x4x1x1024xf32, #tpu.memory_space<hbm>> -> memref<4x1024xf32, #tpu.memory_space<hbm>>
    %dma_wait3A_138 = arith.constant 0 : i32
    %dma_wait3A_139 = arith.constant 0 : i32
    %dma_wait3A_140 = tpu.memref_slice %arg4[%dma_wait3A_130, %dma_wait3A_138, %add3A_129, %dma_wait3A_139] : memref<200x4x128x1024xf32, #tpu.memory_space<hbm>> -> memref<1x4x1x1024xf32, #tpu.memory_space<hbm>>
    %dma_wait3A_141 = tpu.memref_squeeze %dma_wait3A_140 : memref<1x4x1x1024xf32, #tpu.memory_space<hbm>> -> memref<4x1024xf32, #tpu.memory_space<hbm>>
    %dma_wait3A_142 = arith.constant 8 : i32
    %dma_wait3A_143 = arith.constant 0 : i32
    %dma_wait3A_144 = tpu.memref_slice %arg12[%dma_wait3A_142, %dma_wait3A_143] : memref<16x1024xf32, #tpu.memory_space<vmem>> -> memref<4x1024xf32, #tpu.memory_space<vmem>>
    tpu.wait_dma2 semaphore(%arg18 : memref<!tpu.dma_semaphore, #tpu.memory_space<semaphore_mem>>) src(%dma_wait3A_144 : memref<4x1024xf32, #tpu.memory_space<vmem>>) dst(%dma_wait3A_141 : memref<4x1024xf32, #tpu.memory_space<hbm>>)
    %add3A_145 = arith.constant 3 : i32
    %add3A_146 = arith.addi %mul3A_4, %add3A_145 : i32
    %dma_wait3A_147 = arith.constant 0 : i32
    %dma_wait3A_148 = arith.constant 12 : i32
    %dma_wait3A_149 = arith.constant 0 : i32
    %dma_wait3A_150 = tpu.memref_slice %arg12[%dma_wait3A_148, %dma_wait3A_149] : memref<16x1024xf32, #tpu.memory_space<vmem>> -> memref<4x1024xf32, #tpu.memory_space<vmem>>
    %dma_wait3A_151 = arith.constant 0 : i32
    %dma_wait3A_152 = arith.constant 0 : i32
    %dma_wait3A_153 = tpu.memref_slice %arg4[%dma_wait3A_147, %dma_wait3A_151, %add3A_146, %dma_wait3A_152] : memref<200x4x128x1024xf32, #tpu.memory_space<hbm>> -> memref<1x4x1x1024xf32, #tpu.memory_space<hbm>>
    %dma_wait3A_154 = tpu.memref_squeeze %dma_wait3A_153 : memref<1x4x1x1024xf32, #tpu.memory_space<hbm>> -> memref<4x1024xf32, #tpu.memory_space<hbm>>
    %dma_wait3A_155 = arith.constant 0 : i32
    %dma_wait3A_156 = arith.constant 0 : i32
    %dma_wait3A_157 = tpu.memref_slice %arg4[%dma_wait3A_147, %dma_wait3A_155, %add3A_146, %dma_wait3A_156] : memref<200x4x128x1024xf32, #tpu.memory_space<hbm>> -> memref<1x4x1x1024xf32, #tpu.memory_space<hbm>>
    %dma_wait3A_158 = tpu.memref_squeeze %dma_wait3A_157 : memref<1x4x1x1024xf32, #tpu.memory_space<hbm>> -> memref<4x1024xf32, #tpu.memory_space<hbm>>
    %dma_wait3A_159 = arith.constant 12 : i32
    %dma_wait3A_160 = arith.constant 0 : i32
    %dma_wait3A_161 = tpu.memref_slice %arg12[%dma_wait3A_159, %dma_wait3A_160] : memref<16x1024xf32, #tpu.memory_space<vmem>> -> memref<4x1024xf32, #tpu.memory_space<vmem>>
    tpu.wait_dma2 semaphore(%arg18 : memref<!tpu.dma_semaphore, #tpu.memory_space<semaphore_mem>>) src(%dma_wait3A_161 : memref<4x1024xf32, #tpu.memory_space<vmem>>) dst(%dma_wait3A_158 : memref<4x1024xf32, #tpu.memory_space<hbm>>)
    return
  }
}

</mosaic_0001>

<sc_bundles>
// kernel: _sc_gather_t.3.cloned.1.call-start
scs
__scs_entry_jumppad:
0x0: {  	(pc) =	sbr.rel $0x88, $3  }
0x1: {  	(tag) =	ssettag $0x0;
	lr =	simm.s32 $0x1  }
0x2: {  	[smem:$0x3F9F] =	sst lr;
	_ =	strace $0xD0000000  }
0x3: {  	_ = 	snop  }
0x4: {  	_ = 	snop  }
0x5: {  	_ = 	snop  }
0x6: {  	_ = 	snop  }
0x7: {  	_ = 	snop  }
__scs_overlays_trampoline_lowered:
0x8: {  	[smem:$0x3FAE] =	sst s0  }
0x9: {  	[smem:$0x3FAF] =	sst s1  }
0xa: {  	[smem:$0x3FB0] =	sst s2  }
0xb: {  	[smem:$0x3FB1] =	sst s3  }
0xc: {  	[smem:$0x3FB2] =	sst s4  }
0xd: {  	[smem:$0x3FB3] =	sst s5  }
0xe: {  	[smem:$0x3FB4] =	sst s6  }
0xf: {  	[smem:$0x3FB5] =	sst s7  }
0x10: {  	[smem:$0x3FB6] =	sst s8  }
0x11: {  	[smem:$0x3FB7] =	sst s9;
	s0 =	simm.s32 @!p0 $0x0  }
0x12: {  	s1 =	sld [smem:$0x3F9D];
	s0 =	simm.s32 @p0 $0x1  }
0x13: {  	[smem:$0x3FB8] =	sst s0;
	s0 =	simm.s32 @!p1 $0x0  }
0x14: {  	s2 =	sld [smem:$0x3F9C];
	s0 =	simm.s32 @p1 $0x1  }
0x15: {  	[smem:$0x3FB9] =	sst s0;
	s0 =	simm.s32 @!p2 $0x0  }
0x16: {  	s3 =	sld [smem:$0x3FDB];
	s0 =	simm.s32 @p2 $0x1  }
0x17: {  	s4 =	simm.s32 $0x1BF5;
	[smem:$0x3FBB] =	sst s0  }
0x18: {  	s0 =	sld [smem:$0x3F9E];
	_ =	swait.ge [sflag:s4], $0x0  }
0x19: {  	s7 =	sld [smem:$0x3F9F]  }
0x1a: {  	s8 =	sadd.s32 $0xFFFFE003, lr  }
0x1b: {  	s9 =	sadd.s32 $0xFFFFFEF7, lr;
	s5 =	simm.s32 $0xFFFFFFFF;
	p2 =	slt.u32 s8, $0xFFFFF086  }
0x1c: {  	p1 =	slt.u32 s9, $0xF7A;
	s5 =	simm.s32 @!p2 $0x0  }
0x1d: {  	s5 =	simm.s32 @p1 $0x1;
	p0 =	seq.s32 s7, s2  }
0x1e: {  	s7 =	smul.u32 @!p0 $0xF7A, s2;
	p2 =	seq.s32 @!p0 s5, $0x0  }
0x1f: {  	s9 =	smul.u32 $0xF7A, s1;
	s8 =	simm.s32 @!p0 $0x1BF5;
	p2 =	por !p2, p0  }
0x20: {  	[sflag:s8] =	ssyncset.s32 @!p0 $0xFFFFF086;
	s6 =	sadd.s32 @!p0 s3, s7;
	s7 =	simm.s32 @!p0 $0x108  }
0x21: {  	s3 =	sadd.s32 s3, s9;
	s6 =	sadd.s32 @!p0 $0x88, s6;
	s7 =	simm.s32 @p2 $0x1082  }
0x22: {  	[simem:s7], [sflag:s8] =	dma.local @!p0 [hbm:s6], $0xF7A  }
0x23: {  	s9 =	sor.u32 $0xD0000000, s2;
	s6 =	simm.s32 $0x108;
	_ =	swait.ge @!p0 [sflag:s8], $0x0  }
0x24: {  	s3 =	sadd.s32 $0x88, s3;
	s6 =	simm.s32 @!p1 $0x1082;
	[sflag:s4] =	ssyncset.s32 $0xFFFFF086  }
0x25: {  	[simem:s6], [sflag:s4] =	dma.local [hbm:s3], $0xF7A  }
0x26: {  	[smem:$0x3F9F] =	sst s1;
	(tag) =	ssettag s2;
	_ =	strace s9  }
0x27: {  	s1 =	sld [smem:$0x3FAF]  }
0x28: {  	s2 =	sld [smem:$0x3FB0]  }
0x29: {  	s4 =	sld [smem:$0x3FB2]  }
0x2a: {  	p0 =	seq.s32 s5, $0x0;
	s5 =	sld [smem:$0x3FB3]  }
0x2b: {  	s6 =	sld [smem:$0x3FB4]  }
0x2c: {  	s7 =	sld [smem:$0x3FB5]  }
0x2d: {  	s3 =	simm.s32 $0x108;
	s8 =	sld [smem:$0x3FB6]  }
0x2e: {  	s3 =	simm.s32 @!p0 $0x1082;
	s9 =	sld [smem:$0x3FB7]  }
0x2f: {  	lr =	sadd.s32 s0, s3;
	s0 =	sld [smem:$0x3FAE]  }
0x30: {  	s3 =	sld [smem:$0x3FB1]  }
0x31: {  	[smem:$0x3FBA] =	sst s10  }
0x32: {  	s10 =	sld [smem:$0x3FB8];
	_ =	sdelay $0x3  }
0x33: {  	p0 =	seq.s32 s10, $0x1;
	s10 =	sld [smem:$0x3FBA];
	_ =	sdelay $0x3  }
0x34: {  	[smem:$0x3FBA] =	sst s10  }
0x35: {  	s10 =	sld [smem:$0x3FB9];
	_ =	sdelay $0x3  }
0x36: {  	p1 =	seq.s32 s10, $0x1;
	s10 =	sld [smem:$0x3FBA];
	_ =	sdelay $0x3  }
0x37: {  	[smem:$0x3FBA] =	sst s10  }
0x38: {  	s10 =	sld [smem:$0x3FBB]  }
0x39: {  	_ = 	snop;
	(pc) =	sbr.ind lr, $3  }
0x3a: {  	_ = 	snop  }
0x3b: {  	_ = 	snop  }
0x3c: {  	p2 =	seq.s32 s10, $0x1;
	s10 =	sld [smem:$0x3FBA]  }
0x3d: {  	_ =	shalt  }
0x3e: {  	_ =	shalt  }
0x3f: {  	_ =	shalt  }
0x40: {  	_ =	shalt  }
0x41: {  	_ =	shalt  }
0x42: {  	_ =	shalt  }
0x43: {  	_ =	shalt  }
0x44: {  	_ =	shalt  }
0x45: {  	_ =	shalt  }
0x46: {  	_ =	shalt  }
0x47: {  	_ =	shalt  }
0x48: {  	_ =	shalt  }
0x49: {  	_ =	shalt  }
0x4a: {  	_ =	shalt  }
0x4b: {  	_ =	shalt  }
0x4c: {  	_ =	shalt  }
0x4d: {  	_ =	shalt  }
0x4e: {  	_ =	shalt  }
0x4f: {  	_ =	shalt  }
0x50: {  	_ =	shalt  }
0x51: {  	_ =	shalt  }
0x52: {  	_ =	shalt  }
0x53: {  	_ =	shalt  }
0x54: {  	_ =	shalt  }
0x55: {  	_ =	shalt  }
0x56: {  	_ =	shalt  }
0x57: {  	_ =	shalt  }
0x58: {  	_ =	shalt  }
0x59: {  	_ =	shalt  }
0x5a: {  	_ =	shalt  }
0x5b: {  	_ =	shalt  }
0x5c: {  	_ =	shalt  }
0x5d: {  	_ =	shalt  }
0x5e: {  	_ =	shalt  }
0x5f: {  	_ =	shalt  }
0x60: {  	_ =	shalt  }
0x61: {  	_ =	shalt  }
0x62: {  	_ =	shalt  }
0x63: {  	_ =	shalt  }
0x64: {  	_ =	shalt  }
0x65: {  	_ =	shalt  }
0x66: {  	_ =	shalt  }
0x67: {  	_ =	shalt  }
0x68: {  	_ =	shalt  }
0x69: {  	_ =	shalt  }
0x6a: {  	_ =	shalt  }
0x6b: {  	_ =	shalt  }
0x6c: {  	_ =	shalt  }
0x6d: {  	_ =	shalt  }
0x6e: {  	_ =	shalt  }
0x6f: {  	_ =	shalt  }
0x70: {  	_ =	shalt  }
0x71: {  	_ =	shalt  }
0x72: {  	_ =	shalt  }
0x73: {  	_ =	shalt  }
0x74: {  	_ =	shalt  }
0x75: {  	_ =	shalt  }
0x76: {  	_ =	shalt  }
0x77: {  	_ =	shalt  }
0x78: {  	_ =	shalt  }
0x79: {  	_ =	shalt  }
0x7a: {  	_ =	shalt  }
0x7b: {  	_ =	shalt  }
0x7c: {  	_ =	shalt  }
0x7d: {  	_ =	shalt  }
0x7e: {  	_ =	shalt  }
0x7f: {  	_ =	shalt  }
0x80: {  	_ =	shalt  }
0x81: {  	_ =	shalt  }
0x82: {  	_ =	shalt  }
0x83: {  	_ =	shalt  }
0x84: {  	_ =	shalt  }
0x85: {  	_ =	shalt  }
0x86: {  	_ =	shalt  }
0x87: {  	_ =	shalt  }
.Lfunc_end0:
.L_simem_size_0:
called_computation_lowered:
.L_overlay_start_0:
0x88: {  	s2 =	sld [smem:$0x3FD9]  }
0x89: {  	s3 =	sld [smem:$0x3FFE];
	_ =	sdelay $0x1  }
0x8a: {  	s1 =	srdreg.scid  }
0x8b: {  	s0 =	sand.u32 $0x1, s1  }
0x8c: {  	s16 =	sshll.u32 s0, $0xA;
	s2 =	sadd.s32 s3, s2  }
0x8d: {  	s2 =	sadd.s32 s2, s16  }
0x8e: {  	[smem:$0x3FC6] =	sst s2  }
0x8f: {  	_ = 	snop  }
0x90: {  	(tm) =	ssettm $0x1  }
0x91: {  	s17 =	sld [smem:$0x3FFB];
	_ =	sdelay $0x3  }
0x92: {  	_ =	strace s17  }
0x93: {  	s2 =	sld [smem:$0x3FFC];
	_ =	sdelay $0x3  }
0x94: {  	_ =	strace s2  }
0x95: {  	s2 =	sld [smem:$0x3FFD];
	_ =	sdelay $0x3  }
0x96: {  	_ =	strace s2  }
0x97: {  	_ =	strace $0x8FFFFFFF  }
0x98: {  	s18 =	sld [smem:$0x3FDB];
	_ =	sdelay $0x1  }
0x99: {  	s19 =	simm.s32 $_scs_section_size  }
0x9a: {  	s4 =	simm.s32 $_size__tile_overlayer_lowered;
	s5 =	simm.s32 $_tile_overlayer_lowered  }
0x9b: {  	s22 =	simm.s32 $0x1BFF;
	s21 =	sshll.u32 s5, $0x1;
	s2 =	sadd.s32 s19, s18  }
0x9c: {  	s6 =	simm.s32 $0x0;
	s20 =	sshll.u32 s4, $0x1;
	s4 =	sadd.s32 s21, s2  }
0x9d: {  	[timem:s6], [sflag:s22] =	dma.local [hbm:s4], s20  }
0x9e: {  	_ =	swait.ge [sflag:s22], s20  }
0x9f: {  	s3 =	ssub.s32 $0x0, s20;
	[sflag:s22] =	ssyncset.done $0x0  }
0xa0: {  	[sflag:s22] =	ssyncadd.s32 s3;
	_ =	sdelay $0x1  }
0xa1: {  	s23 =	simm.s32 $0x1B8B  }
0xa2: {  	_ =	swait.ge [sflag:s23], $0x1  }
0xa3: {  	[sflag:s23] =	ssyncset.done $0x0  }
0xa4: {  	s25 =	simm.s32 $0x1B8E;
	s24 =	sld [smem:$0x3FFE];
	[sflag:s23] =	ssyncadd.s32 $0xFFFFFFFF  }
0xa5: {  	s26 =	simm.s32 $execute0_lowered;
	[smem:$0x3FD2] =	sst s25  }
0xa6: {  	s4 =	sshll.u32 s26, $0x1;
	_ =	strace $0x80000046;
	[dreg:$0x1] =	wrdreg $0xFFFFFFFF  }
0xa7: {  	s28 =	simm.s32 $_size_execute0_lowered;
	s2 =	sadd.s32 s2, s4;
	[dreg:$0x0] =	wrdreg $0x0  }
0xa8: {  	s4 =	sshll.u32 s28, $0x1;
	[dreg:$0x2] =	wrdreg s2  }
0xa9: {  	[dreg:$0x3] =	wrdreg s4  }
0xaa: {  	[dreg:$0x4] =	wrdreg $0xC0  }
0xab: {  	_ =	task [dreg:s6], $0x5FFFF  }
0xac: {  	[dreg:$0x1] =	wrdreg $0xFFFFFFFF  }
0xad: {  	[dreg:$0x0] =	wrdreg $0x60  }
0xae: {  	[dreg:$0x2] =	wrdreg s24  }
0xaf: {  	[dreg:$0x3] =	wrdreg $0x9  }
0xb0: {  	_ =	task.clear_ibuf [dreg:s6], $0x4FFFF;
	_ =	strace $0x90000046  }
0xb1: {  	s29 =	simm.s32 $0x9;
	_ =	strace $0x80000048  }
0xb2: {  	_ =	swait.ge [sflag:s29], $0x1  }
0xb3: {  	[sflag:s29] =	ssyncadd.s32 $0xFFFFFFFF  }
0xb4: {  	_ =	strace $0x90000048  }
0xb5: {  	_ =	sfence  }
0xb6: {  	s30 =	sld [smem:$0x0];
	_ =	sdelay $0x2  }
0xb7: {  	s31 =	sshll.u32 s1, $0xD;
	s1 =	sshrl.u32 s1, $0x2  }
0xb8: {  	s3 =	sand.u32 $0x4000, s31;
	s1 =	sadd.s32 s1, s30  }
0xb9: {  	s0 =	sor.u32 s3, s0;
	s1 =	sshll.u32 s1, $0x11  }
0xba: {  	s0 =	sor.u32 s1, s0  }
0xbb: {  	s0 =	sadd.s32 $0x8F2B, s0  }
0xbc: {  	[sflag:s0] =	ssyncadd.remote.s32 $0x1  }
0xbd: {  	_ =	sfence.sel $0xFFFF  }
0xbe: {  	[dreg:$0x0] =	wrdreg $0xFFFFFFFF;
	(pc) =	sbr.abs _section_cstart, $3  }
0xbf: {  	[dreg:$0x1] =	wrdreg $0xFFFFFFFF  }
0xc0: {  	_ =	task.clear_ibuf [dreg:s6], $0x2FFFF;
	_ =	strace $0x9FFFFFFF  }
0xc1: {  	(tm) =	ssettm $0x7FFFFFFF  }
tec
execute0_lowered:
.L_overlay_start_1:
0x0: {  	(tag) =	ssettag $0x1  }
0x1: {  	s0 =	rddreg [dreg:$0x0];
	s1 =	simm.s32 $0x0  }
0x2: {  	s23 =	srdreg.scid;
	s2 =	stileid.u32;
	v0 =	vlaneseq.u32;
	s15 =	simm.s32 $0x200  }
0x3: {  	s17 =	simm.s32 $0x400;
	s18 =	simm.s32 $0x2;
	s20 =	simm.s32 $0x3;
	v0 =	vmul.u32 $0x28, v0  }
0x4: {  	s21 =	simm.s32 $0x8400;
	s22 =	simm.s32 $0x20000;
	s28 =	simm.s32 $0x4  }
0x5: {  	s29 =	simm.s32 $0xD400;
	s30 =	simm.s32 $0x16400;
	s31 =	simm.s32 $0x17400;
	v1 =	vadd.s32 $0x280, v0  }
0x6: {  	s14 =	simm.s32 $0x6;
	[smem:$0x7FF] =	sst s1;
	s1 =	sand.u32 $0x1, s23;
	v2 =	vadd.s32 $0x500, v0;
	v3 =	vadd.s32 $0x780, v0;
	v4 =	vadd.s32 $0xA00, v0  }
0x7: {  	s2 =	sshll.u32 s2, $0x1;
	s3 =	sadd.s32 $0x64600, s0;
	s4 =	sadd.s32 $0x600, s0;
	v5 =	vadd.s32 $0xC80, v0;
	v6 =	vadd.s32 $0xF00, v0;
	v7 =	vadd.s32 $0x1180, v0  }
0x8: {  	s5 =	sadd.s32 $0xC6200, s0;
	s6 =	ssub.s32 $0x2, s1;
	s1 =	sor.u32 s1, s2;
	v8 =	vor.u32 $0x1400, v0;
	v9 =	vadd.s32 $0x1680, v0;
	v10 =	vadd.s32 $0x1900, v0  }
0x9: {  	_ =	strace $0x80000047;
	s24 =	sshrl.u32 s6, $0x1;
	s7 =	sshll.u32 s1, $0x6;
	v11 =	vadd.s32 $0x1B80, v0;
	v12 =	vadd.s32 $0x1E00, v0;
	v13 =	vadd.s32 $0x2080, v0  }
0xa: {  	v14 =	vadd.s32 $0x2300, v0;
	v15 =	vadd.s32 $0x2580, v0;
	v16 =	vor.u32 $0x2800, v0;
	s25 =	ssub.s32 s6, s24;
	s26 =	sadd.s32 s4, s7;
	s7 =	sshll.u32 s1, $0xC  }
0xb: {  	v17 =	vadd.s32 $0x2A80, v0;
	v18 =	vadd.s32 $0x2D00, v0;
	v19 =	vadd.s32 $0x2F80, v0;
	s1 =	sshll.u32 s1, $0x9;
	s6 =	simm.s32 $0x0;
	[dreg:$0x2] =	wrdreg s26  }
0xc: {  	v20 =	vadd.s32 $0x3200, v0;
	v21 =	vadd.s32 $0x3480, v0;
	v22 =	vadd.s32 $0x3700, v0;
	s2 =	sadd.s32 $0x800, s26;
	s9 =	sor.u32 $0x8000, s1;
	s10 =	sor.u32 $0xC000, s1  }
0xd: {  	v23 =	vadd.s32 $0x3980, v0;
	v24 =	vor.u32 $0x3C00, v0;
	v25 =	vadd.s32 $0x3E80, v0;
	s11 =	sor.u32 $0x400, s7;
	s12 =	sor.u32 $0x800, s7;
	s13 =	sor.u32 $0xC00, s7  }
0xe: {  	v26 =	vadd.s32 $0x4100, v0;
	v27 =	vadd.s32 $0x4380, v0;
	v28 =	vadd.s32 $0x4600, v0;
	s0 =	smax.u32 s25, $0x1;
	s26 =	simm.s32 $0x15400;
	[dreg:$0x3] =	wrdreg s2  }
0xf: {  	v29 =	vadd.s32 $0x4880, v0;
	v30 =	vadd.s32 $0x4B00, v0;
	v31 =	vadd.s32 $0x4D80, v0;
	s1 =	simm.s32 $0x19400;
	[dreg:$0x4] =	wrdreg s0;
	s0 =	simm.s32 $0x18400  }
.LBB2_1:
0x10: {  	[dreg:$0x5] =	wrdreg s6  }
0x11: {  	s2 =	simm.s32 $0x0;
	s23 =	rddreg [dreg:$0x2]  }
0x12: {  	[tilespmem:s2], [sflag:$0x1] =	stream.linear.gather [hbm4b:s23+s2], $0x200, $0x38;
	[tilespmem:$0x1A400] =	vst v63  }
0x13: {  	s24 =	rddreg [dreg:$0x3];
	s25 =	simm.s32 $0x1  }
0x14: {  	[tilespmem:s15], [sflag:$0x2] =	stream.linear.gather [hbm4b:s24+s2], $0x200, $0x38;
	[tilespmem:$0x1A400] =	vst v63  }
0x15: {  	_ =	swait.ge [sflag:s25], $0x200  }
0x16: {  	[sflag:s25] =	ssyncset.done $0x0  }
0x17: {  	[sflag:s25] =	ssyncadd.s32 $0xFFFFFE00  }
0x18: {  	[tilespmem:s17], [sflag:$0x3] =	stream.indirect.gather [hbm4b:s3+s15], $0x20, s2, s15, $0xb8;
	[tilespmem:$0x1A400] =	vst v63  }
0x19: {  	s2 =	simm.s32 $0x0  }
.LBB2_2:
0x1a: {  	_ =	swait.ge [sflag:s18], $0x200  }
0x1b: {  	s6 =	simm.s32 $0x4400;
	[sflag:s18] =	ssyncset.done $0x0  }
0x1c: {  	s8 =	sshll.u32 s2, $0xF;
	p0 =	seq.s32 s2, $0x63;
	[sflag:s18] =	ssyncadd.s32 $0xFFFFFE00  }
0x1d: {  	[tilespmem:s6], [sflag:$0x4] =	stream.indirect.gather [hbm4b:s3+s15], $0x20, s15, s15, $0xb8;
	[tilespmem:$0x1A400] =	vst v63  }
0x1e: {  	s6 =	sadd.s32 @!p0 s9, s8;
	_ =	swait.ge [sflag:s20], $0x4000  }
0x1f: {  	s25 =	simm.s32 $0x0;
	s6 =	sshrl.u32 @!p0 s6, $0x3;
	[sflag:s20] =	ssyncset.done $0x0  }
0x20: {  	s16 =	simm.s32 @!p0 $0x0;
	s6 =	sadd.s32 @!p0 s4, s6;
	[sflag:s20] =	ssyncadd.s32 $0xFFFFC000  }
0x21: {  	[tilespmem:s16], [sflag:$0x1] =	stream.linear.gather @!p0 [hbm4b:s6+s16], $0x200, $0x38;
	[tilespmem:$0x1A400] =	vst v63  }
0x22: {  	v32 =	vld [tilespmem:s25+$0x400]  }
0x23: {  	v33 =	vld [tilespmem:s25+$0x410]  }
0x24: {  	v34 =	vld [tilespmem:s25+$0x470]  }
0x25: {  	v35 =	vld [tilespmem:s25+$0x420]  }
0x26: {  	v36 =	vld [tilespmem:s25+$0x430]  }
0x27: {  	v37 =	vld [tilespmem:s25+$0x440]  }
0x28: {  	s6 =	simm.s32 $0x8450;
	v38 =	vld [tilespmem:s25+$0x450]  }
0x29: {  	v39 =	vld [tilespmem:s25+$0x460];
	[tilespmem:s6+$0x38] =	vst v34  }
0x2a: {  	[tilespmem:s6+$0xFFFFFFB0] =	vst v32  }
0x2b: {  	[tilespmem:s6+$0xFFFFFFC0] =	vst v33  }
0x2c: {  	[tilespmem:s6+$0xFFFFFFD8] =	vst v35  }
0x2d: {  	[tilespmem:s6+$0xFFFFFFE8] =	vst v36  }
0x2e: {  	[tilespmem:s6+$0x0] =	vst v37  }
0x2f: {  	[tilespmem:s6+$0x10] =	vst v38  }
0x30: {  	s19 =	simm.s32 $0x80;
	[tilespmem:s6+$0x28] =	vst v39  }
0x31: {  	v32 =	vld [tilespmem:s19+$0x400]  }
0x32: {  	s16 =	simm.s32 $0x400;
	v33 =	vld [tilespmem:s19+$0x410]  }
.LBB2_3:
0x33: {  	p1 =	sne.s32 s16, $0xFE00;
	v34 =	vld [tilespmem:s19+$0x470]  }
0x34: {  	v35 =	vld [tilespmem:s19+$0x420]  }
0x35: {  	v36 =	vld [tilespmem:s19+$0x430]  }
0x36: {  	v37 =	vld [tilespmem:s19+$0x440]  }
0x37: {  	s6 =	sadd.s32 $0xA0, s6;
	v38 =	vld [tilespmem:s19+$0x450]  }
0x38: {  	v39 =	vld [tilespmem:s19+$0x460];
	[tilespmem:s6+$0x38] =	vst v34  }
0x39: {  	[tilespmem:s6+$0xFFFFFFB0] =	vst v32  }
0x3a: {  	[tilespmem:s6+$0xFFFFFFC0] =	vst v33  }
0x3b: {  	[tilespmem:s6+$0xFFFFFFD8] =	vst v35  }
0x3c: {  	[tilespmem:s6+$0xFFFFFFE8] =	vst v36  }
.Ltmp0:
0x3d: {  	[tilespmem:s6+$0x0] =	vst v37;
	(pc) =	sbr.rel @p1 .LBB2_3-.Ltmp0, $4  }
0x3e: {  	[tilespmem:s6+$0x10] =	vst v38  }
0x3f: {  	s19 =	sshra.s32 s16, $0x2;
	[tilespmem:s6+$0x28] =	vst v39  }
0x40: {  	v32 =	vld [tilespmem:s19+$0x400]  }
0x41: {  	s16 =	sadd.s32 $0x200, s16;
	v33 =	vld [tilespmem:s19+$0x410]  }
0x42: {  	v34 =	vld [tilespmem:s19+$0x470]  }
0x43: {  	v35 =	vld [tilespmem:s19+$0x420]  }
0x44: {  	v36 =	vld [tilespmem:s19+$0x430]  }
0x45: {  	v37 =	vld [tilespmem:s19+$0x440]  }
0x46: {  	v38 =	vld [tilespmem:s19+$0x450];
	s6 =	sadd.s32 $0xA0, s6  }
0x47: {  	v39 =	vld [tilespmem:s19+$0x460];
	[tilespmem:s6+$0xFFFFFFB0] =	vst v32  }
0x48: {  	[tilespmem:s6+$0xFFFFFFC0] =	vst v33  }
0x49: {  	[tilespmem:s6+$0x38] =	vst v34  }
0x4a: {  	[tilespmem:s6+$0xFFFFFFD8] =	vst v35  }
0x4b: {  	[tilespmem:s6+$0xFFFFFFE8] =	vst v36  }
0x4c: {  	[tilespmem:s6+$0x0] =	vst v37  }
0x4d: {  	p1 =	seq.s32 s2, $0x0;
	[tilespmem:s6+$0x10] =	vst v38  }
0x4e: {  	s16 =	simm.s32 @!p1 $0x5;
	[tilespmem:s6+$0x28] =	vst v39  }
0x4f: {  	_ =	swait.ge @!p1 [sflag:s16], $0x1000  }
0x50: {  	[sflag:s16] =	ssyncset.done @!p1 $0x0  }
0x51: {  	[sflag:s16] =	ssyncadd.s32 @!p1 $0xFFFFF000  }
0x52: {  	_ =	swait.ge @!p1 [sflag:s16], $0x1000  }
0x53: {  	s6 =	simm.s32 $0x0;
	[sflag:s16] =	ssyncset.done @!p1 $0x0  }
0x54: {  	v58 =	vmov s6;
	[sflag:s16] =	ssyncadd.s32 @!p1 $0xFFFFF000  }
0x55: {  	v32 =	vand.u32 $0x1F, v58;
	_ =	swait.ge @!p1 [sflag:s16], $0x1000  }
0x56: {  	v59 =	vadd.s32 v3, v32;
	[sflag:s16] =	ssyncset.done @!p1 $0x0  }
0x57: {  	v60 =	vadd.s32 v7, v32;
	[sflag:s16] =	ssyncadd.s32 @!p1 $0xFFFFF000  }
0x58: {  	v61 =	vadd.s32 v6, v32;
	_ =	swait.ge @!p1 [sflag:s16], $0x1000  }
0x59: {  	v62 =	vadd.s32 v1, v32;
	[sflag:s16] =	ssyncset.done @!p1 $0x0  }
0x5a: {  	v63 =	vadd.s32 v0, v32;
	[sflag:s16] =	ssyncadd.s32 @!p1 $0xFFFFF000  }
0x5b: {  	v41 =	vadd.s32 v4, v32;
	v33 =	vld.idx.msk [tilespmem:v59+s21+$0x0], $0xffff  }
0x5c: {  	v42 =	vadd.s32 v2, v32;
	v36 =	vld.idx.msk [tilespmem:v60+s21+$0x0], $0xffff  }
0x5d: {  	v38 =	vadd.s32 v5, v32;
	v40 =	vld.idx.msk [tilespmem:v61+s21+$0x0], $0xffff  }
0x5e: {  	v35 =	vld.idx.msk [tilespmem:v62+s21+$0x0], $0xffff  }
0x5f: {  	v39 =	vld.idx.msk [tilespmem:v63+s21+$0x0], $0xffff  }
0x60: {  	v34 =	vld.idx.msk [tilespmem:v41+s21+$0x0], $0xffff  }
0x61: {  	s19 =	simm.s32 $0x0;
	s23 =	sand.u32 $0xF80, s6;
	s16 =	simm.s32 $0x1;
	v37 =	vld.idx.msk [tilespmem:v42+s21+$0x0], $0xffff  }
.LBB2_5:
0x62: {  	p1 =	sne.s32 s16, $0x1F;
	v41 =	vld.idx.msk [tilespmem:v38+s21+$0x0], $0xffff;
	s24 =	sadd.s32 $0x12400, s23;
	s19 =	sadd.s32 $0x80, s19  }
0x63: {  	s25 =	smov.u32 s16;
	s16 =	sadd.s32 $0x1, s16;
	[tilespmem:s24+$0x60] =	vst v40  }
0x64: {  	v38 =	vmov s25;
	[tilespmem:s24+$0x70] =	vst v36  }
0x65: {  	v36 =	vand.u32 $0x1F, v38;
	[tilespmem:s23+$0x12400] =	vst v39  }
0x66: {  	v39 =	vadd.s32 v0, v36;
	v40 =	vadd.s32 v3, v36;
	v42 =	vadd.s32 v7, v36;
	[tilespmem:s24+$0x10] =	vst v35  }
0x67: {  	v43 =	vadd.s32 v4, v36;
	v38 =	vadd.s32 v5, v36;
	v35 =	vadd.s32 v6, v36;
	[tilespmem:s24+$0x20] =	vst v37  }
0x68: {  	v44 =	vadd.s32 v2, v36;
	v37 =	vadd.s32 v1, v36;
	[tilespmem:s24+$0x40] =	vst v34  }
0x69: {  	[tilespmem:s24+$0x30] =	vst v33  }
0x6a: {  	[tilespmem:s24+$0x50] =	vst v41  }
0x6b: {  	v33 =	vld.idx.msk [tilespmem:v40+s21+$0x0], $0xffff  }
0x6c: {  	v36 =	vld.idx.msk [tilespmem:v42+s21+$0x0], $0xffff  }
.Ltmp1:
0x6d: {  	v40 =	vld.idx.msk [tilespmem:v35+s21+$0x0], $0xffff;
	(pc) =	sbr.rel @p1 .LBB2_5-.Ltmp1, $4  }
0x6e: {  	v35 =	vld.idx.msk [tilespmem:v37+s21+$0x0], $0xffff  }
0x6f: {  	v39 =	vld.idx.msk [tilespmem:v39+s21+$0x0], $0xffff  }
0x70: {  	v34 =	vld.idx.msk [tilespmem:v43+s21+$0x0], $0xffff  }
0x71: {  	s23 =	sand.u32 $0xF80, s19;
	v37 =	vld.idx.msk [tilespmem:v44+s21+$0x0], $0xffff  }
0x72: {  	_ =	sdelay $0x2  }
0x73: {  	s16 =	sadd.s32 $0x12400, s23  }
0x74: {  	v38 =	vld.idx.msk [tilespmem:v38+s21+$0x0], $0xffff;
	[tilespmem:s16+$0x60] =	vst v40  }
0x75: {  	[tilespmem:s16+$0x70] =	vst v36  }
0x76: {  	[tilespmem:s23+$0x12400] =	vst v39  }
0x77: {  	v59 =	vadd.s32 v11, v32;
	[tilespmem:s16+$0x10] =	vst v35  }
0x78: {  	v60 =	vadd.s32 v15, v32;
	[tilespmem:s16+$0x40] =	vst v34  }
0x79: {  	v61 =	vadd.s32 v14, v32;
	[tilespmem:s16+$0x30] =	vst v33  }
0x7a: {  	v62 =	vadd.s32 v9, v32;
	[tilespmem:s16+$0x20] =	vst v37  }
0x7b: {  	v63 =	vadd.s32 v8, v32;
	[tilespmem:s16+$0x50] =	vst v38  }
0x7c: {  	v41 =	vadd.s32 v12, v32;
	v33 =	vld.idx.msk [tilespmem:v59+s21+$0x0], $0xffff  }
0x7d: {  	v42 =	vadd.s32 v10, v32;
	v37 =	vld.idx.msk [tilespmem:v60+s21+$0x0], $0xffff  }
0x7e: {  	v32 =	vadd.s32 v13, v32;
	v39 =	vld.idx.msk [tilespmem:v61+s21+$0x0], $0xffff  }
0x7f: {  	v35 =	vld.idx.msk [tilespmem:v62+s21+$0x0], $0xffff  }
0x80: {  	v38 =	vld.idx.msk [tilespmem:v63+s21+$0x0], $0xffff  }
0x81: {  	v34 =	vld.idx.msk [tilespmem:v41+s21+$0x0], $0xffff  }
0x82: {  	s19 =	simm.s32 $0x1;
	s23 =	sand.u32 $0xF80, s6;
	v36 =	vld.idx.msk [tilespmem:v42+s21+$0x0], $0xffff  }
.LBB2_7:
0x83: {  	p1 =	sne.s32 s19, $0x1F;
	v40 =	vld.idx.msk [tilespmem:v32+s21+$0x0], $0xffff;
	s16 =	sadd.s32 $0x13400, s23;
	s6 =	sadd.s32 $0x80, s6  }
0x84: {  	s24 =	smov.u32 s19;
	s19 =	sadd.s32 $0x1, s19;
	[tilespmem:s16+$0x60] =	vst v39  }
0x85: {  	v32 =	vmov s24;
	[tilespmem:s16+$0x70] =	vst v37  }
0x86: {  	v37 =	vand.u32 $0x1F, v32;
	[tilespmem:s23+$0x13400] =	vst v38  }
0x87: {  	v38 =	vadd.s32 v8, v37;
	v39 =	vadd.s32 v11, v37;
	v41 =	vadd.s32 v15, v37;
	[tilespmem:s16+$0x10] =	vst v35  }
0x88: {  	v42 =	vadd.s32 v12, v37;
	v32 =	vadd.s32 v13, v37;
	v35 =	vadd.s32 v14, v37;
	[tilespmem:s16+$0x20] =	vst v36  }
0x89: {  	v43 =	vadd.s32 v10, v37;
	v36 =	vadd.s32 v9, v37;
	[tilespmem:s16+$0x40] =	vst v34  }
0x8a: {  	[tilespmem:s16+$0x30] =	vst v33  }
0x8b: {  	[tilespmem:s16+$0x50] =	vst v40  }
0x8c: {  	v33 =	vld.idx.msk [tilespmem:v39+s21+$0x0], $0xffff  }
0x8d: {  	v37 =	vld.idx.msk [tilespmem:v41+s21+$0x0], $0xffff  }
.Ltmp2:
0x8e: {  	v39 =	vld.idx.msk [tilespmem:v35+s21+$0x0], $0xffff;
	(pc) =	sbr.rel @p1 .LBB2_7-.Ltmp2, $4  }
0x8f: {  	v35 =	vld.idx.msk [tilespmem:v36+s21+$0x0], $0xffff  }
0x90: {  	v38 =	vld.idx.msk [tilespmem:v38+s21+$0x0], $0xffff  }
0x91: {  	v34 =	vld.idx.msk [tilespmem:v42+s21+$0x0], $0xffff  }
0x92: {  	s23 =	sand.u32 $0xF80, s6;
	s16 =	simm.s32 $0x0;
	v36 =	vld.idx.msk [tilespmem:v43+s21+$0x0], $0xffff  }
0x93: {  	_ =	sdelay $0x2  }
0x94: {  	s6 =	sadd.s32 $0x13400, s23  }
0x95: {  	v40 =	vld.idx.msk [tilespmem:v32+s21+$0x0], $0xffff;
	[tilespmem:s6+$0x60] =	vst v39  }
0x96: {  	v58 =	vmov s16;
	[tilespmem:s6+$0x70] =	vst v37  }
0x97: {  	v32 =	vand.u32 $0x1F, v58;
	[tilespmem:s23+$0x13400] =	vst v38  }
0x98: {  	v59 =	vadd.s32 v19, v32;
	[tilespmem:s6+$0x10] =	vst v35  }
0x99: {  	v60 =	vadd.s32 v23, v32;
	[tilespmem:s6+$0x40] =	vst v34  }
0x9a: {  	v61 =	vadd.s32 v22, v32;
	[tilespmem:s6+$0x30] =	vst v33  }
0x9b: {  	v62 =	vadd.s32 v17, v32;
	[tilespmem:s6+$0x20] =	vst v36  }
0x9c: {  	v63 =	vadd.s32 v16, v32;
	[tilespmem:s6+$0x50] =	vst v40  }
0x9d: {  	v41 =	vadd.s32 v20, v32;
	v33 =	vld.idx.msk [tilespmem:v59+s21+$0x0], $0xffff  }
0x9e: {  	v42 =	vadd.s32 v18, v32;
	v36 =	vld.idx.msk [tilespmem:v60+s21+$0x0], $0xffff  }
0x9f: {  	v38 =	vadd.s32 v21, v32;
	v40 =	vld.idx.msk [tilespmem:v61+s21+$0x0], $0xffff  }
0xa0: {  	v35 =	vld.idx.msk [tilespmem:v62+s21+$0x0], $0xffff  }
0xa1: {  	v39 =	vld.idx.msk [tilespmem:v63+s21+$0x0], $0xffff  }
0xa2: {  	v34 =	vld.idx.msk [tilespmem:v41+s21+$0x0], $0xffff  }
0xa3: {  	s19 =	simm.s32 $0x0;
	s23 =	sand.u32 $0xF80, s16;
	s6 =	simm.s32 $0x1;
	v37 =	vld.idx.msk [tilespmem:v42+s21+$0x0], $0xffff  }
.LBB2_9:
0xa4: {  	p1 =	sne.s32 s6, $0x1F;
	v41 =	vld.idx.msk [tilespmem:v38+s21+$0x0], $0xffff;
	s24 =	sadd.s32 $0x14400, s23;
	s19 =	sadd.s32 $0x80, s19  }
0xa5: {  	s25 =	smov.u32 s6;
	s6 =	sadd.s32 $0x1, s6;
	[tilespmem:s24+$0x60] =	vst v40  }
0xa6: {  	v38 =	vmov s25;
	[tilespmem:s24+$0x70] =	vst v36  }
0xa7: {  	v36 =	vand.u32 $0x1F, v38;
	[tilespmem:s23+$0x14400] =	vst v39  }
0xa8: {  	v39 =	vadd.s32 v16, v36;
	v40 =	vadd.s32 v19, v36;
	v42 =	vadd.s32 v23, v36;
	[tilespmem:s24+$0x10] =	vst v35  }
0xa9: {  	v43 =	vadd.s32 v20, v36;
	v38 =	vadd.s32 v21, v36;
	v35 =	vadd.s32 v22, v36;
	[tilespmem:s24+$0x20] =	vst v37  }
0xaa: {  	v44 =	vadd.s32 v18, v36;
	v37 =	vadd.s32 v17, v36;
	[tilespmem:s24+$0x40] =	vst v34  }
0xab: {  	[tilespmem:s24+$0x30] =	vst v33  }
0xac: {  	[tilespmem:s24+$0x50] =	vst v41  }
0xad: {  	v33 =	vld.idx.msk [tilespmem:v40+s21+$0x0], $0xffff  }
0xae: {  	v36 =	vld.idx.msk [tilespmem:v42+s21+$0x0], $0xffff  }
.Ltmp3:
0xaf: {  	v40 =	vld.idx.msk [tilespmem:v35+s21+$0x0], $0xffff;
	(pc) =	sbr.rel @p1 .LBB2_9-.Ltmp3, $4  }
0xb0: {  	v35 =	vld.idx.msk [tilespmem:v37+s21+$0x0], $0xffff  }
0xb1: {  	v39 =	vld.idx.msk [tilespmem:v39+s21+$0x0], $0xffff  }
0xb2: {  	v34 =	vld.idx.msk [tilespmem:v43+s21+$0x0], $0xffff  }
0xb3: {  	s23 =	sand.u32 $0xF80, s19;
	v37 =	vld.idx.msk [tilespmem:v44+s21+$0x0], $0xffff  }
0xb4: {  	_ =	sdelay $0x2  }
0xb5: {  	s6 =	sadd.s32 $0x14400, s23  }
0xb6: {  	v38 =	vld.idx.msk [tilespmem:v38+s21+$0x0], $0xffff;
	[tilespmem:s6+$0x60] =	vst v40  }
0xb7: {  	[tilespmem:s6+$0x70] =	vst v36  }
0xb8: {  	[tilespmem:s23+$0x14400] =	vst v39  }
0xb9: {  	v58 =	vadd.s32 v27, v32;
	[tilespmem:s6+$0x10] =	vst v35  }
0xba: {  	v59 =	vadd.s32 v31, v32;
	[tilespmem:s6+$0x40] =	vst v34  }
0xbb: {  	v60 =	vadd.s32 v30, v32;
	[tilespmem:s6+$0x30] =	vst v33  }
0xbc: {  	v61 =	vadd.s32 v25, v32;
	[tilespmem:s6+$0x20] =	vst v37  }
0xbd: {  	v62 =	vadd.s32 v24, v32;
	[tilespmem:s6+$0x50] =	vst v38  }
0xbe: {  	v63 =	vadd.s32 v28, v32;
	v33 =	vld.idx.msk [tilespmem:v58+s21+$0x0], $0xffff  }
0xbf: {  	v41 =	vadd.s32 v26, v32;
	v36 =	vld.idx.msk [tilespmem:v59+s21+$0x0], $0xffff  }
0xc0: {  	v37 =	vadd.s32 v29, v32;
	v39 =	vld.idx.msk [tilespmem:v60+s21+$0x0], $0xffff  }
0xc1: {  	v35 =	vld.idx.msk [tilespmem:v61+s21+$0x0], $0xffff  }
0xc2: {  	v38 =	vld.idx.msk [tilespmem:v62+s21+$0x0], $0xffff  }
0xc3: {  	v34 =	vld.idx.msk [tilespmem:v63+s21+$0x0], $0xffff  }
0xc4: {  	s19 =	sand.u32 $0xF80, s16;
	s6 =	simm.s32 $0x1;
	v32 =	vld.idx.msk [tilespmem:v41+s21+$0x0], $0xffff  }
.LBB2_11:
0xc5: {  	p1 =	sne.s32 s6, $0x1F;
	v40 =	vld.idx.msk [tilespmem:v37+s21+$0x0], $0xffff;
	s23 =	sadd.s32 $0x15400, s19;
	s16 =	sadd.s32 $0x80, s16  }
0xc6: {  	s24 =	smov.u32 s6;
	s6 =	sadd.s32 $0x1, s6;
	[tilespmem:s23+$0x60] =	vst v39  }
0xc7: {  	v37 =	vmov s24;
	[tilespmem:s23+$0x70] =	vst v36  }
0xc8: {  	v36 =	vand.u32 $0x1F, v37;
	[tilespmem:s19+$0x15400] =	vst v38  }
0xc9: {  	v38 =	vadd.s32 v24, v36;
	v39 =	vadd.s32 v27, v36;
	v41 =	vadd.s32 v31, v36;
	[tilespmem:s23+$0x10] =	vst v35  }
0xca: {  	v42 =	vadd.s32 v28, v36;
	v37 =	vadd.s32 v29, v36;
	v35 =	vadd.s32 v30, v36;
	[tilespmem:s23+$0x20] =	vst v32  }
0xcb: {  	v43 =	vadd.s32 v26, v36;
	v32 =	vadd.s32 v25, v36;
	[tilespmem:s23+$0x40] =	vst v34  }
0xcc: {  	[tilespmem:s23+$0x30] =	vst v33  }
0xcd: {  	[tilespmem:s23+$0x50] =	vst v40  }
0xce: {  	v33 =	vld.idx.msk [tilespmem:v39+s21+$0x0], $0xffff  }
0xcf: {  	v36 =	vld.idx.msk [tilespmem:v41+s21+$0x0], $0xffff  }
.Ltmp4:
0xd0: {  	v39 =	vld.idx.msk [tilespmem:v35+s21+$0x0], $0xffff;
	(pc) =	sbr.rel @p1 .LBB2_11-.Ltmp4, $4  }
0xd1: {  	v35 =	vld.idx.msk [tilespmem:v32+s21+$0x0], $0xffff  }
0xd2: {  	v38 =	vld.idx.msk [tilespmem:v38+s21+$0x0], $0xffff  }
0xd3: {  	v34 =	vld.idx.msk [tilespmem:v42+s21+$0x0], $0xffff  }
0xd4: {  	s19 =	sand.u32 $0xF80, s16;
	v32 =	vld.idx.msk [tilespmem:v43+s21+$0x0], $0xffff  }
0xd5: {  	_ =	sdelay $0x2  }
0xd6: {  	s6 =	sadd.s32 $0x15400, s19  }
0xd7: {  	v37 =	vld.idx.msk [tilespmem:v37+s21+$0x0], $0xffff;
	[tilespmem:s6+$0x60] =	vst v39  }
0xd8: {  	[tilespmem:s6+$0x70] =	vst v36  }
0xd9: {  	[tilespmem:s19+$0x15400] =	vst v38  }
0xda: {  	[tilespmem:s6+$0x10] =	vst v35  }
0xdb: {  	s16 =	sshll.u32 s2, $0x14;
	[tilespmem:s6+$0x40] =	vst v34  }
0xdc: {  	s25 =	sor.u32 s7, s16;
	[tilespmem:s6+$0x30] =	vst v33  }
0xdd: {  	s24 =	sor.u32 s11, s16;
	s19 =	sshrl.u32 s25, $0x3;
	[tilespmem:s6+$0x20] =	vst v32  }
0xde: {  	s23 =	simm.s32 $0x12400;
	s19 =	sadd.s32 s5, s19;
	[tilespmem:s6+$0x50] =	vst v37;
	s6 =	sshrl.u32 s24, $0x3  }
0xdf: {  	[hbm4b:s19+s17] =	stream.strided.scatter [tilespmem:s23], [sflag:$0x5], $0x1000, s22, s17, $0x38;
	[tilespmem:$0x1A400] =	vst v63  }
0xe0: {  	s25 =	simm.s32 $0x13400;
	s6 =	sadd.s32 s5, s6;
	s19 =	sor.u32 s12, s16  }
0xe1: {  	[hbm4b:s6+s17] =	stream.strided.scatter [tilespmem:s25], [sflag:$0x5], $0x1000, s22, s17, $0x38;
	[tilespmem:$0x1A400] =	vst v63  }
0xe2: {  	s6 =	sshrl.u32 s19, $0x3  }
0xe3: {  	s24 =	sor.u32 s13, s16;
	s23 =	simm.s32 $0x14400;
	s6 =	sadd.s32 s5, s6  }
0xe4: {  	[hbm4b:s6+s17] =	stream.strided.scatter [tilespmem:s23], [sflag:$0x5], $0x1000, s22, s17, $0x38;
	[tilespmem:$0x1A400] =	vst v63  }
0xe5: {  	s6 =	sshrl.u32 s24, $0x3  }
0xe6: {  	s6 =	sadd.s32 s5, s6  }
0xe7: {  	[hbm4b:s6+s17] =	stream.strided.scatter [tilespmem:s26], [sflag:$0x5], $0x1000, s22, s17, $0x38;
	[tilespmem:$0x1A400] =	vst v63  }
0xe8: {  	s19 =	simm.s32 @!p0 $0x200;
	s6 =	sadd.s32 @!p0 s10, s8;
	_ =	swait.ge [sflag:s28], $0x4000  }
0xe9: {  	s25 =	simm.s32 $0x0;
	s6 =	sshrl.u32 @!p0 s6, $0x3;
	[sflag:s28] =	ssyncset.done $0x0  }
0xea: {  	s8 =	simm.s32 @!p0 $0x0;
	s6 =	sadd.s32 @!p0 s4, s6;
	[sflag:s28] =	ssyncadd.s32 $0xFFFFC000  }
0xeb: {  	[tilespmem:s19], [sflag:$0x2] =	stream.linear.gather @!p0 [hbm4b:s6+s8], $0x200, $0x38;
	[tilespmem:$0x1A400] =	vst v63  }
0xec: {  	v56 =	vld [tilespmem:s25+$0x4400]  }
0xed: {  	v57 =	vld [tilespmem:s25+$0x4410]  }
0xee: {  	v58 =	vld [tilespmem:s25+$0x4470]  }
0xef: {  	v59 =	vld [tilespmem:s25+$0x4420]  }
0xf0: {  	v60 =	vld [tilespmem:s25+$0x4430]  }
0xf1: {  	v61 =	vld [tilespmem:s25+$0x4440]  }
0xf2: {  	s6 =	simm.s32 $0xD450;
	v62 =	vld [tilespmem:s25+$0x4450]  }
0xf3: {  	v63 =	vld [tilespmem:s25+$0x4460];
	[tilespmem:s6+$0x38] =	vst v58  }
0xf4: {  	[tilespmem:s6+$0xFFFFFFB0] =	vst v56  }
0xf5: {  	[tilespmem:s6+$0xFFFFFFC0] =	vst v57  }
0xf6: {  	[tilespmem:s6+$0xFFFFFFD8] =	vst v59  }
0xf7: {  	[tilespmem:s6+$0xFFFFFFE8] =	vst v60  }
0xf8: {  	[tilespmem:s6+$0x0] =	vst v61  }
0xf9: {  	[tilespmem:s6+$0x10] =	vst v62  }
0xfa: {  	s19 =	simm.s32 $0x80;
	[tilespmem:s6+$0x28] =	vst v63  }
0xfb: {  	v32 =	vld [tilespmem:s19+$0x4400]  }
0xfc: {  	s8 =	simm.s32 $0x400;
	v33 =	vld [tilespmem:s19+$0x4410]  }
.LBB2_13:
0xfd: {  	p1 =	sne.s32 s8, $0xFE00;
	v34 =	vld [tilespmem:s19+$0x4470]  }
0xfe: {  	v35 =	vld [tilespmem:s19+$0x4420]  }
0xff: {  	v36 =	vld [tilespmem:s19+$0x4430]  }
0x100: {  	v37 =	vld [tilespmem:s19+$0x4440]  }
0x101: {  	s6 =	sadd.s32 $0xA0, s6;
	v38 =	vld [tilespmem:s19+$0x4450]  }
0x102: {  	v39 =	vld [tilespmem:s19+$0x4460];
	[tilespmem:s6+$0x38] =	vst v34  }
0x103: {  	[tilespmem:s6+$0xFFFFFFB0] =	vst v32  }
0x104: {  	[tilespmem:s6+$0xFFFFFFC0] =	vst v33  }
0x105: {  	[tilespmem:s6+$0xFFFFFFD8] =	vst v35  }
0x106: {  	[tilespmem:s6+$0xFFFFFFE8] =	vst v36  }
.Ltmp5:
0x107: {  	[tilespmem:s6+$0x0] =	vst v37;
	(pc) =	sbr.rel @p1 .LBB2_13-.Ltmp5, $4  }
0x108: {  	[tilespmem:s6+$0x10] =	vst v38  }
0x109: {  	s19 =	sshra.s32 s8, $0x2;
	[tilespmem:s6+$0x28] =	vst v39  }
0x10a: {  	v32 =	vld [tilespmem:s19+$0x4400]  }
0x10b: {  	s8 =	sadd.s32 $0x200, s8;
	v33 =	vld [tilespmem:s19+$0x4410]  }
0x10c: {  	v34 =	vld [tilespmem:s19+$0x4470]  }
0x10d: {  	v35 =	vld [tilespmem:s19+$0x4420]  }
0x10e: {  	v36 =	vld [tilespmem:s19+$0x4430]  }
0x10f: {  	v37 =	vld [tilespmem:s19+$0x4440]  }
0x110: {  	v38 =	vld [tilespmem:s19+$0x4450];
	s6 =	sadd.s32 $0xA0, s6  }
0x111: {  	v39 =	vld [tilespmem:s19+$0x4460];
	[tilespmem:s6+$0xFFFFFFB0] =	vst v32  }
0x112: {  	[tilespmem:s6+$0xFFFFFFC0] =	vst v33  }
0x113: {  	[tilespmem:s6+$0x38] =	vst v34  }
0x114: {  	[tilespmem:s6+$0xFFFFFFD8] =	vst v35  }
0x115: {  	[tilespmem:s6+$0xFFFFFFE8] =	vst v36  }
0x116: {  	[tilespmem:s6+$0x0] =	vst v37  }
0x117: {  	[tilespmem:s6+$0x10] =	vst v38  }
0x118: {  	[tilespmem:s6+$0x28] =	vst v39;
	s6 =	simm.s32 @!p0 $0x1  }
0x119: {  	_ =	swait.ge @!p0 [sflag:s6], $0x200  }
0x11a: {  	p1 =	seq.s32 @!p0 s2, $0x0;
	s8 =	simm.s32 @!p0 $0x0;
	[sflag:s6] =	ssyncset.done @!p0 $0x0  }
0x11b: {  	s19 =	simm.s32 @!p0 $0x400;
	[sflag:s6] =	ssyncadd.s32 @!p0 $0xFFFFFE00;
	s6 =	simm.s32 @!p0 $0x200  }
0x11c: {  	[tilespmem:s19], [sflag:$0x3] =	stream.indirect.gather @!p0 [hbm4b:s3+s6], $0x20, s8, s6, $0xb8;
	[tilespmem:$0x1A400] =	vst v63  }
0x11d: {  	p0 =	por p0, !p1  }
0x11e: {  	_ =	swait.ge @p0 [sflag:s14], $0x1000  }
0x11f: {  	[sflag:s14] =	ssyncset.done @p0 $0x0  }
0x120: {  	[sflag:s14] =	ssyncadd.s32 @p0 $0xFFFFF000  }
0x121: {  	_ =	swait.ge @p0 [sflag:s14], $0x1000  }
0x122: {  	s6 =	simm.s32 $0x0;
	[sflag:s14] =	ssyncset.done @p0 $0x0  }
0x123: {  	v58 =	vmov s6;
	[sflag:s14] =	ssyncadd.s32 @p0 $0xFFFFF000  }
0x124: {  	v32 =	vand.u32 $0x1F, v58;
	_ =	swait.ge @p0 [sflag:s14], $0x1000  }
0x125: {  	v59 =	vadd.s32 v3, v32;
	[sflag:s14] =	ssyncset.done @p0 $0x0  }
0x126: {  	v60 =	vadd.s32 v7, v32;
	[sflag:s14] =	ssyncadd.s32 @p0 $0xFFFFF000  }
0x127: {  	v61 =	vadd.s32 v6, v32;
	_ =	swait.ge @p0 [sflag:s14], $0x1000  }
0x128: {  	v62 =	vadd.s32 v1, v32;
	[sflag:s14] =	ssyncset.done @p0 $0x0  }
0x129: {  	v63 =	vadd.s32 v0, v32;
	[sflag:s14] =	ssyncadd.s32 @p0 $0xFFFFF000  }
0x12a: {  	v41 =	vadd.s32 v4, v32;
	v33 =	vld.idx.msk [tilespmem:v59+s29+$0x0], $0xffff  }
0x12b: {  	v42 =	vadd.s32 v2, v32;
	v36 =	vld.idx.msk [tilespmem:v60+s29+$0x0], $0xffff  }
0x12c: {  	v38 =	vadd.s32 v5, v32;
	v40 =	vld.idx.msk [tilespmem:v61+s29+$0x0], $0xffff  }
0x12d: {  	v35 =	vld.idx.msk [tilespmem:v62+s29+$0x0], $0xffff  }
0x12e: {  	v39 =	vld.idx.msk [tilespmem:v63+s29+$0x0], $0xffff  }
0x12f: {  	v34 =	vld.idx.msk [tilespmem:v41+s29+$0x0], $0xffff  }
0x130: {  	s8 =	simm.s32 $0x1;
	s19 =	simm.s32 $0x0;
	s23 =	sand.u32 $0xF80, s6;
	v37 =	vld.idx.msk [tilespmem:v42+s29+$0x0], $0xffff  }
.LBB2_15:
0x131: {  	p0 =	sne.s32 s8, $0x1F;
	v41 =	vld.idx.msk [tilespmem:v38+s29+$0x0], $0xffff;
	s24 =	sadd.s32 $0x16400, s23;
	s19 =	sadd.s32 $0x80, s19  }
0x132: {  	s25 =	smov.u32 s8;
	s8 =	sadd.s32 $0x1, s8;
	[tilespmem:s24+$0x60] =	vst v40  }
0x133: {  	v38 =	vmov s25;
	[tilespmem:s24+$0x70] =	vst v36  }
0x134: {  	v36 =	vand.u32 $0x1F, v38;
	[tilespmem:s23+$0x16400] =	vst v39  }
0x135: {  	v39 =	vadd.s32 v0, v36;
	v40 =	vadd.s32 v3, v36;
	v42 =	vadd.s32 v7, v36;
	[tilespmem:s24+$0x10] =	vst v35  }
0x136: {  	v43 =	vadd.s32 v4, v36;
	v38 =	vadd.s32 v5, v36;
	v35 =	vadd.s32 v6, v36;
	[tilespmem:s24+$0x20] =	vst v37  }
0x137: {  	v44 =	vadd.s32 v2, v36;
	v37 =	vadd.s32 v1, v36;
	[tilespmem:s24+$0x40] =	vst v34  }
0x138: {  	[tilespmem:s24+$0x30] =	vst v33  }
0x139: {  	[tilespmem:s24+$0x50] =	vst v41  }
0x13a: {  	v33 =	vld.idx.msk [tilespmem:v40+s29+$0x0], $0xffff  }
0x13b: {  	v36 =	vld.idx.msk [tilespmem:v42+s29+$0x0], $0xffff  }
.Ltmp6:
0x13c: {  	v40 =	vld.idx.msk [tilespmem:v35+s29+$0x0], $0xffff;
	(pc) =	sbr.rel @p0 .LBB2_15-.Ltmp6, $4  }
0x13d: {  	v35 =	vld.idx.msk [tilespmem:v37+s29+$0x0], $0xffff  }
0x13e: {  	v39 =	vld.idx.msk [tilespmem:v39+s29+$0x0], $0xffff  }
0x13f: {  	v34 =	vld.idx.msk [tilespmem:v43+s29+$0x0], $0xffff  }
0x140: {  	s23 =	sand.u32 $0xF80, s19;
	v37 =	vld.idx.msk [tilespmem:v44+s29+$0x0], $0xffff  }
0x141: {  	_ =	sdelay $0x2  }
0x142: {  	s8 =	sadd.s32 $0x16400, s23  }
0x143: {  	v38 =	vld.idx.msk [tilespmem:v38+s29+$0x0], $0xffff;
	[tilespmem:s8+$0x60] =	vst v40  }
0x144: {  	[tilespmem:s8+$0x70] =	vst v36  }
0x145: {  	[tilespmem:s23+$0x16400] =	vst v39  }
0x146: {  	v59 =	vadd.s32 v11, v32;
	[tilespmem:s8+$0x10] =	vst v35  }
0x147: {  	v60 =	vadd.s32 v15, v32;
	[tilespmem:s8+$0x40] =	vst v34  }
0x148: {  	v61 =	vadd.s32 v14, v32;
	[tilespmem:s8+$0x30] =	vst v33  }
0x149: {  	v62 =	vadd.s32 v9, v32;
	[tilespmem:s8+$0x20] =	vst v37  }
0x14a: {  	v63 =	vadd.s32 v8, v32;
	[tilespmem:s8+$0x50] =	vst v38  }
0x14b: {  	v41 =	vadd.s32 v12, v32;
	v33 =	vld.idx.msk [tilespmem:v59+s29+$0x0], $0xffff  }
0x14c: {  	v42 =	vadd.s32 v10, v32;
	v37 =	vld.idx.msk [tilespmem:v60+s29+$0x0], $0xffff  }
0x14d: {  	v32 =	vadd.s32 v13, v32;
	v39 =	vld.idx.msk [tilespmem:v61+s29+$0x0], $0xffff  }
0x14e: {  	v35 =	vld.idx.msk [tilespmem:v62+s29+$0x0], $0xffff  }
0x14f: {  	v38 =	vld.idx.msk [tilespmem:v63+s29+$0x0], $0xffff  }
0x150: {  	v34 =	vld.idx.msk [tilespmem:v41+s29+$0x0], $0xffff  }
0x151: {  	s19 =	simm.s32 $0x1;
	s23 =	sand.u32 $0xF80, s6;
	v36 =	vld.idx.msk [tilespmem:v42+s29+$0x0], $0xffff  }
.LBB2_17:
0x152: {  	p0 =	sne.s32 s19, $0x1F;
	v40 =	vld.idx.msk [tilespmem:v32+s29+$0x0], $0xffff;
	s8 =	sadd.s32 $0x17400, s23;
	s6 =	sadd.s32 $0x80, s6  }
0x153: {  	s24 =	smov.u32 s19;
	s19 =	sadd.s32 $0x1, s19;
	[tilespmem:s8+$0x60] =	vst v39  }
0x154: {  	v32 =	vmov s24;
	[tilespmem:s8+$0x70] =	vst v37  }
0x155: {  	v37 =	vand.u32 $0x1F, v32;
	[tilespmem:s23+$0x17400] =	vst v38  }
0x156: {  	v38 =	vadd.s32 v8, v37;
	v39 =	vadd.s32 v11, v37;
	v41 =	vadd.s32 v15, v37;
	[tilespmem:s8+$0x10] =	vst v35  }
0x157: {  	v42 =	vadd.s32 v12, v37;
	v32 =	vadd.s32 v13, v37;
	v35 =	vadd.s32 v14, v37;
	[tilespmem:s8+$0x20] =	vst v36  }
0x158: {  	v43 =	vadd.s32 v10, v37;
	v36 =	vadd.s32 v9, v37;
	[tilespmem:s8+$0x40] =	vst v34  }
0x159: {  	[tilespmem:s8+$0x30] =	vst v33  }
0x15a: {  	[tilespmem:s8+$0x50] =	vst v40  }
0x15b: {  	v33 =	vld.idx.msk [tilespmem:v39+s29+$0x0], $0xffff  }
0x15c: {  	v37 =	vld.idx.msk [tilespmem:v41+s29+$0x0], $0xffff  }
.Ltmp7:
0x15d: {  	v39 =	vld.idx.msk [tilespmem:v35+s29+$0x0], $0xffff;
	(pc) =	sbr.rel @p0 .LBB2_17-.Ltmp7, $4  }
0x15e: {  	v35 =	vld.idx.msk [tilespmem:v36+s29+$0x0], $0xffff  }
0x15f: {  	v38 =	vld.idx.msk [tilespmem:v38+s29+$0x0], $0xffff  }
0x160: {  	v34 =	vld.idx.msk [tilespmem:v42+s29+$0x0], $0xffff  }
0x161: {  	s23 =	sand.u32 $0xF80, s6;
	s8 =	simm.s32 $0x0;
	v36 =	vld.idx.msk [tilespmem:v43+s29+$0x0], $0xffff  }
0x162: {  	_ =	sdelay $0x2  }
0x163: {  	s6 =	sadd.s32 $0x17400, s23  }
0x164: {  	v40 =	vld.idx.msk [tilespmem:v32+s29+$0x0], $0xffff;
	[tilespmem:s6+$0x60] =	vst v39  }
0x165: {  	v58 =	vmov s8;
	[tilespmem:s6+$0x70] =	vst v37  }
0x166: {  	v32 =	vand.u32 $0x1F, v58;
	[tilespmem:s23+$0x17400] =	vst v38  }
0x167: {  	v59 =	vadd.s32 v19, v32;
	[tilespmem:s6+$0x10] =	vst v35  }
0x168: {  	v60 =	vadd.s32 v23, v32;
	[tilespmem:s6+$0x40] =	vst v34  }
0x169: {  	v61 =	vadd.s32 v22, v32;
	[tilespmem:s6+$0x30] =	vst v33  }
0x16a: {  	v62 =	vadd.s32 v17, v32;
	[tilespmem:s6+$0x20] =	vst v36  }
0x16b: {  	v63 =	vadd.s32 v16, v32;
	[tilespmem:s6+$0x50] =	vst v40  }
0x16c: {  	v41 =	vadd.s32 v20, v32;
	v33 =	vld.idx.msk [tilespmem:v59+s29+$0x0], $0xffff  }
0x16d: {  	v42 =	vadd.s32 v18, v32;
	v36 =	vld.idx.msk [tilespmem:v60+s29+$0x0], $0xffff  }
0x16e: {  	v38 =	vadd.s32 v21, v32;
	v40 =	vld.idx.msk [tilespmem:v61+s29+$0x0], $0xffff  }
0x16f: {  	v35 =	vld.idx.msk [tilespmem:v62+s29+$0x0], $0xffff  }
0x170: {  	v39 =	vld.idx.msk [tilespmem:v63+s29+$0x0], $0xffff  }
0x171: {  	v34 =	vld.idx.msk [tilespmem:v41+s29+$0x0], $0xffff  }
0x172: {  	s19 =	simm.s32 $0x0;
	s23 =	sand.u32 $0xF80, s8;
	s6 =	simm.s32 $0x1;
	v37 =	vld.idx.msk [tilespmem:v42+s29+$0x0], $0xffff  }
.LBB2_19:
0x173: {  	p0 =	sne.s32 s6, $0x1F;
	v41 =	vld.idx.msk [tilespmem:v38+s29+$0x0], $0xffff;
	s24 =	sadd.s32 $0x18400, s23;
	s19 =	sadd.s32 $0x80, s19  }
0x174: {  	s25 =	smov.u32 s6;
	s6 =	sadd.s32 $0x1, s6;
	[tilespmem:s24+$0x60] =	vst v40  }
0x175: {  	v38 =	vmov s25;
	[tilespmem:s24+$0x70] =	vst v36  }
0x176: {  	v36 =	vand.u32 $0x1F, v38;
	[tilespmem:s23+$0x18400] =	vst v39  }
0x177: {  	v39 =	vadd.s32 v16, v36;
	v40 =	vadd.s32 v19, v36;
	v42 =	vadd.s32 v23, v36;
	[tilespmem:s24+$0x10] =	vst v35  }
0x178: {  	v43 =	vadd.s32 v20, v36;
	v38 =	vadd.s32 v21, v36;
	v35 =	vadd.s32 v22, v36;
	[tilespmem:s24+$0x20] =	vst v37  }
0x179: {  	v44 =	vadd.s32 v18, v36;
	v37 =	vadd.s32 v17, v36;
	[tilespmem:s24+$0x40] =	vst v34  }
0x17a: {  	[tilespmem:s24+$0x30] =	vst v33  }
0x17b: {  	[tilespmem:s24+$0x50] =	vst v41  }
0x17c: {  	v33 =	vld.idx.msk [tilespmem:v40+s29+$0x0], $0xffff  }
0x17d: {  	v36 =	vld.idx.msk [tilespmem:v42+s29+$0x0], $0xffff  }
.Ltmp8:
0x17e: {  	v40 =	vld.idx.msk [tilespmem:v35+s29+$0x0], $0xffff;
	(pc) =	sbr.rel @p0 .LBB2_19-.Ltmp8, $4  }
0x17f: {  	v35 =	vld.idx.msk [tilespmem:v37+s29+$0x0], $0xffff  }
0x180: {  	v39 =	vld.idx.msk [tilespmem:v39+s29+$0x0], $0xffff  }
0x181: {  	v34 =	vld.idx.msk [tilespmem:v43+s29+$0x0], $0xffff  }
0x182: {  	s23 =	sand.u32 $0xF80, s19;
	v37 =	vld.idx.msk [tilespmem:v44+s29+$0x0], $0xffff  }
0x183: {  	_ =	sdelay $0x2  }
0x184: {  	s6 =	sadd.s32 $0x18400, s23  }
0x185: {  	v38 =	vld.idx.msk [tilespmem:v38+s29+$0x0], $0xffff;
	[tilespmem:s6+$0x60] =	vst v40  }
0x186: {  	[tilespmem:s6+$0x70] =	vst v36  }
0x187: {  	[tilespmem:s23+$0x18400] =	vst v39  }
0x188: {  	v58 =	vadd.s32 v27, v32;
	[tilespmem:s6+$0x10] =	vst v35  }
0x189: {  	v59 =	vadd.s32 v31, v32;
	[tilespmem:s6+$0x40] =	vst v34  }
0x18a: {  	v60 =	vadd.s32 v30, v32;
	[tilespmem:s6+$0x30] =	vst v33  }
0x18b: {  	v61 =	vadd.s32 v25, v32;
	[tilespmem:s6+$0x20] =	vst v37  }
0x18c: {  	v62 =	vadd.s32 v24, v32;
	[tilespmem:s6+$0x50] =	vst v38  }
0x18d: {  	v63 =	vadd.s32 v28, v32;
	v33 =	vld.idx.msk [tilespmem:v58+s29+$0x0], $0xffff  }
0x18e: {  	v41 =	vadd.s32 v26, v32;
	v36 =	vld.idx.msk [tilespmem:v59+s29+$0x0], $0xffff  }
0x18f: {  	v37 =	vadd.s32 v29, v32;
	v39 =	vld.idx.msk [tilespmem:v60+s29+$0x0], $0xffff  }
0x190: {  	v35 =	vld.idx.msk [tilespmem:v61+s29+$0x0], $0xffff  }
0x191: {  	v38 =	vld.idx.msk [tilespmem:v62+s29+$0x0], $0xffff  }
0x192: {  	v34 =	vld.idx.msk [tilespmem:v63+s29+$0x0], $0xffff  }
0x193: {  	s19 =	sand.u32 $0xF80, s8;
	s6 =	simm.s32 $0x1;
	v32 =	vld.idx.msk [tilespmem:v41+s29+$0x0], $0xffff  }
.LBB2_21:
0x194: {  	p0 =	sne.s32 s6, $0x1F;
	v40 =	vld.idx.msk [tilespmem:v37+s29+$0x0], $0xffff;
	s23 =	sadd.s32 $0x19400, s19;
	s8 =	sadd.s32 $0x80, s8  }
0x195: {  	s24 =	smov.u32 s6;
	s6 =	sadd.s32 $0x1, s6;
	[tilespmem:s23+$0x60] =	vst v39  }
0x196: {  	v37 =	vmov s24;
	[tilespmem:s23+$0x70] =	vst v36  }
0x197: {  	v36 =	vand.u32 $0x1F, v37;
	[tilespmem:s19+$0x19400] =	vst v38  }
0x198: {  	v38 =	vadd.s32 v24, v36;
	v39 =	vadd.s32 v27, v36;
	v41 =	vadd.s32 v31, v36;
	[tilespmem:s23+$0x10] =	vst v35  }
0x199: {  	v42 =	vadd.s32 v28, v36;
	v37 =	vadd.s32 v29, v36;
	v35 =	vadd.s32 v30, v36;
	[tilespmem:s23+$0x20] =	vst v32  }
0x19a: {  	v43 =	vadd.s32 v26, v36;
	v32 =	vadd.s32 v25, v36;
	[tilespmem:s23+$0x40] =	vst v34  }
0x19b: {  	[tilespmem:s23+$0x30] =	vst v33  }
0x19c: {  	[tilespmem:s23+$0x50] =	vst v40  }
0x19d: {  	v33 =	vld.idx.msk [tilespmem:v39+s29+$0x0], $0xffff  }
0x19e: {  	v36 =	vld.idx.msk [tilespmem:v41+s29+$0x0], $0xffff  }
.Ltmp9:
0x19f: {  	v39 =	vld.idx.msk [tilespmem:v35+s29+$0x0], $0xffff;
	(pc) =	sbr.rel @p0 .LBB2_21-.Ltmp9, $4  }
0x1a0: {  	v35 =	vld.idx.msk [tilespmem:v32+s29+$0x0], $0xffff  }
0x1a1: {  	v38 =	vld.idx.msk [tilespmem:v38+s29+$0x0], $0xffff  }
0x1a2: {  	v34 =	vld.idx.msk [tilespmem:v42+s29+$0x0], $0xffff  }
0x1a3: {  	s19 =	sand.u32 $0xF80, s8;
	v32 =	vld.idx.msk [tilespmem:v43+s29+$0x0], $0xffff  }
0x1a4: {  	_ =	sdelay $0x2  }
0x1a5: {  	s6 =	sadd.s32 $0x19400, s19  }
0x1a6: {  	v37 =	vld.idx.msk [tilespmem:v37+s29+$0x0], $0xffff;
	[tilespmem:s6+$0x60] =	vst v39  }
0x1a7: {  	[tilespmem:s6+$0x70] =	vst v36  }
0x1a8: {  	[tilespmem:s19+$0x19400] =	vst v38  }
0x1a9: {  	[tilespmem:s6+$0x10] =	vst v35  }
0x1aa: {  	s8 =	sor.u32 $0x80000, s16;
	[tilespmem:s6+$0x40] =	vst v34  }
0x1ab: {  	s16 =	sor.u32 s7, s8;
	[tilespmem:s6+$0x30] =	vst v33  }
0x1ac: {  	s23 =	sor.u32 s11, s8;
	s16 =	sshrl.u32 s16, $0x3;
	[tilespmem:s6+$0x20] =	vst v32  }
0x1ad: {  	s19 =	sadd.s32 s5, s16;
	[tilespmem:s6+$0x50] =	vst v37;
	s6 =	sshrl.u32 s23, $0x3  }
0x1ae: {  	[hbm4b:s19+s17] =	stream.strided.scatter [tilespmem:s30], [sflag:$0x6], $0x1000, s22, s17, $0x38;
	[tilespmem:$0x1A400] =	vst v63  }
0x1af: {  	s2 =	sadd.s32 $0x1, s2;
	s24 =	sor.u32 s12, s8;
	s6 =	sadd.s32 s5, s6  }
0x1b0: {  	[hbm4b:s6+s17] =	stream.strided.scatter [tilespmem:s31], [sflag:$0x6], $0x1000, s22, s17, $0x38;
	[tilespmem:$0x1A400] =	vst v63  }
0x1b1: {  	p0 =	sne.s32 s2, $0x64;
	s6 =	sshrl.u32 s24, $0x3  }
.Ltmp10:
0x1b2: {  	s25 =	sor.u32 s13, s8;
	s6 =	sadd.s32 s5, s6;
	(pc) =	sbr.rel @p0 .LBB2_2-.Ltmp10, $4  }
0x1b3: {  	[hbm4b:s6+s17] =	stream.strided.scatter [tilespmem:s0], [sflag:$0x6], $0x1000, s22, s17, $0x38;
	[tilespmem:$0x1A400] =	vst v63  }
0x1b4: {  	s6 =	sshrl.u32 s25, $0x3  }
0x1b5: {  	s6 =	sadd.s32 s5, s6  }
0x1b6: {  	[hbm4b:s6+s17] =	stream.strided.scatter [tilespmem:s1], [sflag:$0x6], $0x1000, s22, s17, $0x38;
	[tilespmem:$0x1A400] =	vst v63  }
0x1b7: {  	s2 =	simm.s32 $0x5  }
0x1b8: {  	_ =	swait.ge [sflag:s2], $0x1000  }
0x1b9: {  	[sflag:s2] =	ssyncset.done $0x0  }
0x1ba: {  	[sflag:s2] =	ssyncadd.s32 $0xFFFFF000  }
0x1bb: {  	_ =	swait.ge [sflag:s2], $0x1000  }
0x1bc: {  	[sflag:s2] =	ssyncset.done $0x0  }
0x1bd: {  	[sflag:s2] =	ssyncadd.s32 $0xFFFFF000  }
0x1be: {  	_ =	swait.ge [sflag:s2], $0x1000  }
0x1bf: {  	[sflag:s2] =	ssyncset.done $0x0  }
0x1c0: {  	[sflag:s2] =	ssyncadd.s32 $0xFFFFF000  }
0x1c1: {  	_ =	swait.ge [sflag:s2], $0x1000  }
0x1c2: {  	[sflag:s2] =	ssyncset.done $0x0  }
0x1c3: {  	[sflag:s2] =	ssyncadd.s32 $0xFFFFF000  }
0x1c4: {  	_ =	swait.ge [sflag:s14], $0x1000  }
0x1c5: {  	[sflag:s14] =	ssyncset.done $0x0  }
0x1c6: {  	[sflag:s14] =	ssyncadd.s32 $0xFFFFF000  }
0x1c7: {  	_ =	swait.ge [sflag:s14], $0x1000  }
0x1c8: {  	[sflag:s14] =	ssyncset.done $0x0  }
0x1c9: {  	[sflag:s14] =	ssyncadd.s32 $0xFFFFF000  }
0x1ca: {  	_ =	swait.ge [sflag:s14], $0x1000  }
0x1cb: {  	[sflag:s14] =	ssyncset.done $0x0  }
0x1cc: {  	[sflag:s14] =	ssyncadd.s32 $0xFFFFF000  }
0x1cd: {  	_ =	swait.ge [sflag:s14], $0x1000  }
0x1ce: {  	s6 =	rddreg [dreg:$0x5]  }
0x1cf: {  	s25 =	rddreg [dreg:$0x4];
	s6 =	sadd.s32 $0x1, s6  }
0x1d0: {  	p0 =	sne.s32 s6, s25  }
.Ltmp11:
0x1d1: {  	_ = 	snop;
	(pc) =	sbr.rel @p0 .LBB2_1-.Ltmp11, $3  }
0x1d2: {  	_ =	sdelay $0x1  }
0x1d3: {  	[sflag:s14] =	ssyncset.done $0x0  }
0x1d4: {  	[sflag:s14] =	ssyncadd.s32 $0xFFFFF000  }
0x1d5: {  	_ =	sfence.sel $0x180000  }
0x1d6: {  	[bflag:$0x0] =	sbarrier.arrive $0xFFFF  }
0x1d7: {  	_ =	strace $0x90000047  }
0x1d8: {  	s0 =	stileid.u32;
	[bflag:$0x2] =	sbarrier.arrive $0xFFFF  }
0x1d9: {  	p0 =	sne.s32 s0, $0x0;
	s0 =	rddreg [dreg:$0x1]  }
0x1da: {  	s0 =	sadd.s32 @!p0 $0x100000, s0  }
0x1db: {  	[sflag:s0] =	ssyncadd.tile.s32 @!p0 $0x1;
	_ =	shalt  }
.Lfunc_end2:
_tile_overlayer_lowered:
.L_overlay_start_2:
0x1dc: {  	(tag) =	ssettag $0x2  }
0x1dd: {  	s0 =	rddreg [dreg:$0x0];
	s2 =	stileid.u32  }
0x1de: {  	s1 =	rddreg [dreg:$0x1];
	p0 =	sne.s32 s2, $0x0  }
0x1df: {  	s3 =	rddreg [dreg:$0x2];
	[bflag:$0x3] =	sbarrier.arrive $0xFFFF;
	s2 =	simm.s32 @!p0 $0x1C07  }
0x1e0: {  	[timem:s3], [sflag:s2] =	dma.local @!p0 [hbm:s0], s1  }
0x1e1: {  	s0 =	simm.s32 @!p0 $0x7  }
0x1e2: {  	_ =	swait.ge @!p0 [sflag:s0], s1  }
0x1e3: {  	s1 =	ssub.s32 @!p0 $0x0, s1;
	[sflag:s0] =	ssyncset.done @!p0 $0x0  }
0x1e4: {  	[sflag:s0] =	ssyncadd.s32 @!p0 s1  }
0x1e5: {  	[bflag:$0x3] =	sbarrier.arrive $0xFFFF  }
0x1e6: {  	_ =	shalt  }

</sc_bundles>
